<compile_context>
chip_gen: v7x
topology: tpu7x:2x2x1
jax: 0.10.2.dev20260603
libtpu: 0.0.44.dev20260713+nightly
codegen_flags: <defaults>
</compile_context>

<pallas_src>
import functools

import jax
import jax.numpy as jnp
from jax import lax
from jax.experimental import pallas as pl
from jax.experimental.pallas import tpu as pltpu
from jax.experimental.pallas import tpu_sc as plsc

H = 128
NRBF = 32
NNODES = 10000
NEDGES = 160000
CUT_UPPER = 5.0

EB = 256
NB = 256
NBLK = (NNODES + NB - 1) // NB
NPAD = NBLK * NB
CT = 672
S = CT * EB
FEATW = 128

SC_NW = 32
SC_K = 128
EPAD = 163840
SC_ITERS = EPAD // (SC_NW * SC_K)


def _node_kernel(zf_ref, emb_ref, w1t_ref, w2t_ref, zw1_ref, zw2_ref):
    zrow = zf_ref[0]
    blk = zrow.shape[-1]
    q = lax.broadcasted_iota(jnp.int32, (H, blk), 0).astype(jnp.float32)
    oht = (q == zrow).astype(jnp.float32)
    z_emb = lax.dot_general(oht, emb_ref[...],
                            (((0,), (0,)), ((), ())),
                            preferred_element_type=jnp.float32)
    zw1_ref[...] = jnp.dot(z_emb, w1t_ref[...], preferred_element_type=jnp.float32)
    zw2_ref[...] = jnp.dot(z_emb, w2t_ref[...], preferred_element_type=jnp.float32)


def _node_precompute(z_f, emb_w, w1t, w2t):
    blk = 512
    nblk = NPAD // blk
    zf3 = z_f.reshape(nblk, 1, blk)
    return pl.pallas_call(
        _node_kernel,
        grid=(nblk,),
        in_specs=[
            pl.BlockSpec((1, 1, blk), lambda i: (i, 0, 0)),
            pl.BlockSpec((H, H), lambda i: (0, 0)),
            pl.BlockSpec((H, H), lambda i: (0, 0)),
            pl.BlockSpec((H, H), lambda i: (0, 0)),
        ],
        out_specs=[
            pl.BlockSpec((blk, H), lambda i: (i, 0)),
            pl.BlockSpec((blk, H), lambda i: (i, 0)),
        ],
        out_shape=[
            jax.ShapeDtypeStruct((NPAD, H), jnp.float32),
            jax.ShapeDtypeStruct((NPAD, H), jnp.float32),
        ],
    )(zf3, emb_w, w1t, w2t)


def _sc_scatter_body(feat_hbm, slotm_hbm, dstm_hbm, srcm_hbm, zw1_hbm, zw2_hbm,
                     feats_out, zij_out,
                     slot_v, dst_v, src_v, fb0, fb1, z1b0, z1b1, z2b0, z2b1,
                     gsem0, gsem1, ssem0, ssem1):
    nc = 2
    wid = lax.axis_index("s") * nc + lax.axis_index("c")
    rowbase = wid * SC_ITERS
    base = wid * (SC_ITERS * SC_K)
    pltpu.sync_copy(slotm_hbm.at[pl.ds(rowbase, SC_ITERS)], slot_v)
    pltpu.sync_copy(dstm_hbm.at[pl.ds(rowbase, SC_ITERS)], dst_v)
    pltpu.sync_copy(srcm_hbm.at[pl.ds(rowbase, SC_ITERS)], src_v)

    fb = (fb0, fb1)
    z1 = (z1b0, z1b1)
    z2 = (z2b0, z2b1)
    gs = (gsem0, gsem1)
    ss = (ssem0, ssem1)

    def fire_loads(j, b):
        off = base + j * SC_K
        pltpu.async_copy(feat_hbm.at[pl.ds(off, SC_K)], fb[b], gs[b])
        pltpu.async_copy(zw1_hbm.at[dst_v.at[j]], z1[b], gs[b])
        pltpu.async_copy(zw2_hbm.at[src_v.at[j]], z2[b], gs[b])

    def drain_loads(b):
        pltpu.make_async_copy(feat_hbm.at[pl.ds(0, SC_K)], fb[b], gs[b]).wait()
        pltpu.make_async_copy(zw1_hbm.at[pl.ds(0, SC_K)], z1[b], gs[b]).wait()
        pltpu.make_async_copy(zw2_hbm.at[pl.ds(0, SC_K)], z2[b], gs[b]).wait()

    def drain_stores(b):
        pltpu.make_async_copy(feat_hbm.at[pl.ds(0, SC_K)], fb[b], ss[b]).wait()
        pltpu.make_async_copy(zw1_hbm.at[pl.ds(0, SC_K)], z1[b], ss[b]).wait()

    def do_store(j, b):
        z1b = z1[b]
        z2b = z2[b]

        def row(r, carry):
            for c in range(H // 16):
                sl = pl.ds(c * 16, 16)
                z1b[r, sl] = z1b[r, sl] + z2b[r, sl]
            return carry

        lax.fori_loop(0, SC_K, row, 0, unroll=False)
        pltpu.async_copy(fb[b], feats_out.at[slot_v.at[j]], ss[b])
        pltpu.async_copy(z1b, zij_out.at[slot_v.at[j]], ss[b])

    def body(g, carry):
        for b in (0, 1):
            @pl.when(g > 0)
            def _():
                drain_stores(b)
            fire_loads(2 * g + b, b)
        for b in (0, 1):
            drain_loads(b)
            do_store(2 * g + b, b)
        return carry

    lax.fori_loop(0, SC_ITERS // 2, body, 0, unroll=False)
    drain_stores(0)
    drain_stores(1)


def _sc_scatter(feat, slotm, dstm, srcm, zw1, zw2):
    mesh = plsc.VectorSubcoreMesh(core_axis_name="c", subcore_axis_name="s")
    fn = functools.partial(
        pl.kernel, mesh=mesh,
        out_type=[
            jax.ShapeDtypeStruct((S, FEATW), jnp.float32),
            jax.ShapeDtypeStruct((S, H), jnp.float32),
        ],
        scratch_types=[
            pltpu.VMEM((SC_ITERS, SC_K), jnp.int32),
            pltpu.VMEM((SC_ITERS, SC_K), jnp.int32),
            pltpu.VMEM((SC_ITERS, SC_K), jnp.int32),
            pltpu.VMEM((SC_K, FEATW), jnp.float32),
            pltpu.VMEM((SC_K, FEATW), jnp.float32),
            pltpu.VMEM((SC_K, H), jnp.float32),
            pltpu.VMEM((SC_K, H), jnp.float32),
            pltpu.VMEM((SC_K, H), jnp.float32),
            pltpu.VMEM((SC_K, H), jnp.float32),
            pltpu.SemaphoreType.DMA,
            pltpu.SemaphoreType.DMA,
            pltpu.SemaphoreType.DMA,
            pltpu.SemaphoreType.DMA,
        ],
    )(_sc_scatter_body)
    return fn(feat, slotm, dstm, srcm, zw1, zw2)


def _edge_kernel(nb_map_ref, first_ref, vcnt_ref, feat_ref, zij_ref,
                 d1t_ref, d2t_ref, d3t_ref, db_ref, eb2b_ref, t_ref):
    c = pl.program_id(0)
    feat = feat_ref[0]
    attr = feat[:, :NRBF]
    vx = feat[:, NRBF:NRBF + 1]
    vy = feat[:, NRBF + 1:NRBF + 2]
    vz = feat[:, NRBF + 2:NRBF + 3]
    w = feat[:, NRBF + 3:NRBF + 4]
    dl = feat[:, NRBF + 4:NRBF + 5]

    zij = zij_ref[0] + eb2b_ref[0]
    cut = 0.5 * (jnp.cos(w * (jnp.pi / CUT_UPPER)) + 1.0)
    cut = cut * (w < CUT_UPPER).astype(jnp.float32)
    cz = cut * zij

    d1 = jnp.dot(attr, d1t_ref[...], preferred_element_type=jnp.float32) + db_ref[0, 0:1]
    d2 = jnp.dot(attr, d2t_ref[...], preferred_element_type=jnp.float32) + db_ref[1, 0:1]
    d3 = jnp.dot(attr, d3t_ref[...], preferred_element_type=jnp.float32) + db_ref[2, 0:1]
    ci = d1 * cz
    ca = d2 * cz
    cs = d3 * cz

    tr3 = (vx * vx + vy * vy + vz * vz) * (1.0 / 3.0)
    payload = jnp.concatenate([
        ci,
        ca * vx, ca * vy, ca * vz,
        cs * (vx * vx - tr3), cs * (vx * vy), cs * (vx * vz),
        cs * (vy * vy - tr3), cs * (vy * vz),
    ], axis=1)

    ridx = lax.broadcasted_iota(jnp.int32, (EB, 1), 0)
    valid = ridx < vcnt_ref[c]
    payload = jnp.where(valid, payload, 0.0)

    cols = lax.broadcasted_iota(jnp.int32, (EB, NB), 1).astype(jnp.float32)
    onehot = (cols == dl).astype(jnp.bfloat16)
    contrib = lax.dot_general(onehot, payload.astype(jnp.bfloat16),
                              (((0,), (0,)), ((), ())),
                              preferred_element_type=jnp.float32)

    @pl.when(first_ref[c] == 1)
    def _():
        t_ref[...] = jnp.zeros_like(t_ref)

    t_ref[...] += contrib


def _edge_accumulate(feat_s, zij_s, chunk_nb, chunk_first, vcnt,
                     d1t, d2t, d3t, dbias, eb2b):
    grid_spec = pltpu.PrefetchScalarGridSpec(
        num_scalar_prefetch=3,
        grid=(CT,),
        in_specs=[
            pl.BlockSpec((1, EB, FEATW), lambda c, nbm, fst, vc: (c, 0, 0)),
            pl.BlockSpec((1, EB, H), lambda c, nbm, fst, vc: (c, 0, 0)),
            pl.BlockSpec((NRBF, H), lambda c, nbm, fst, vc: (0, 0)),
            pl.BlockSpec((NRBF, H), lambda c, nbm, fst, vc: (0, 0)),
            pl.BlockSpec((NRBF, H), lambda c, nbm, fst, vc: (0, 0)),
            pl.BlockSpec((3, H), lambda c, nbm, fst, vc: (0, 0)),
            pl.BlockSpec((1, H), lambda c, nbm, fst, vc: (0, 0)),
        ],
        out_specs=pl.BlockSpec((NB, 9 * H), lambda c, nbm, fst, vc: (nbm[c], 0)),
    )
    return pl.pallas_call(
        _edge_kernel,
        grid_spec=grid_spec,
        out_shape=jax.ShapeDtypeStruct((NPAD, 9 * H), jnp.float32),
    )(chunk_nb, chunk_first, vcnt,
      feat_s.reshape(CT, EB, FEATW), zij_s.reshape(CT, EB, H),
      d1t, d2t, d3t, dbias, eb2b)


def _silu(x):
    return x / (1.0 + jnp.exp(-x))


def _final_kernel(t_ref, lng_ref, lnb_ref, ls0t_ref, ls0b_ref, ls1t_ref,
                  ls1b_ref, lt0t_ref, lt1t_ref, lt2t_ref, out_ref):
    t = t_ref[...]
    t0 = t[:, 0:H]
    a1 = t[:, H:2 * H]
    a2 = t[:, 2 * H:3 * H]
    a3 = t[:, 3 * H:4 * H]
    s1 = t[:, 4 * H:5 * H]
    s2 = t[:, 5 * H:6 * H]
    s3 = t[:, 6 * H:7 * H]
    s4 = t[:, 7 * H:8 * H]
    s5 = t[:, 8 * H:9 * H]

    nrm = (3.0 * t0 * t0
           + 2.0 * (a1 * a1 + a2 * a2 + a3 * a3)
           + s1 * s1 + s4 * s4 + (s1 + s4) * (s1 + s4)
           + 2.0 * (s2 * s2 + s3 * s3 + s5 * s5))

    mu = jnp.mean(nrm, axis=1, keepdims=True)
    dn = nrm - mu
    var = jnp.mean(dn * dn, axis=1, keepdims=True)
    nh = dn * lax.rsqrt(var + 1e-5) * lng_ref[0] + lnb_ref[0]

    h1 = _silu(jnp.dot(nh, ls0t_ref[...], preferred_element_type=jnp.float32)
               + ls0b_ref[0])
    h2 = _silu(jnp.dot(h1, ls1t_ref[...], preferred_element_type=jnp.float32)
               + ls1b_ref[0])
    f0 = h2[:, 0:H]
    f1 = h2[:, H:2 * H]
    f2 = h2[:, 2 * H:3 * H]

    u0 = jnp.dot(t0, lt0t_ref[...], preferred_element_type=jnp.float32) * f0
    ua1 = jnp.dot(a1, lt1t_ref[...], preferred_element_type=jnp.float32) * f1
    ua2 = jnp.dot(a2, lt1t_ref[...], preferred_element_type=jnp.float32) * f1
    ua3 = jnp.dot(a3, lt1t_ref[...], preferred_element_type=jnp.float32) * f1
    us1 = jnp.dot(s1, lt2t_ref[...], preferred_element_type=jnp.float32) * f2
    us2 = jnp.dot(s2, lt2t_ref[...], preferred_element_type=jnp.float32) * f2
    us3 = jnp.dot(s3, lt2t_ref[...], preferred_element_type=jnp.float32) * f2
    us4 = jnp.dot(s4, lt2t_ref[...], preferred_element_type=jnp.float32) * f2
    us5 = jnp.dot(s5, lt2t_ref[...], preferred_element_type=jnp.float32) * f2

    out_ref[0] = u0 + us1
    out_ref[1] = -ua3 + us2
    out_ref[2] = ua2 + us3
    out_ref[3] = ua3 + us2
    out_ref[4] = u0 + us4
    out_ref[5] = -ua1 + us5
    out_ref[6] = -ua2 + us3
    out_ref[7] = ua1 + us5
    out_ref[8] = u0 - us1 - us4


def _final_stage(t_acc, ln_g, ln_b, ls0t, ls0b, ls1t, ls1b, lt0t, lt1t, lt2t):
    blk = 512
    nblk = NPAD // blk
    return pl.pallas_call(
        _final_kernel,
        grid=(nblk,),
        in_specs=[
            pl.BlockSpec((blk, 9 * H), lambda i: (i, 0)),
            pl.BlockSpec((1, H), lambda i: (0, 0)),
            pl.BlockSpec((1, H), lambda i: (0, 0)),
            pl.BlockSpec((H, 2 * H), lambda i: (0, 0)),
            pl.BlockSpec((1, 2 * H), lambda i: (0, 0)),
            pl.BlockSpec((2 * H, 3 * H), lambda i: (0, 0)),
            pl.BlockSpec((1, 3 * H), lambda i: (0, 0)),
            pl.BlockSpec((H, H), lambda i: (0, 0)),
            pl.BlockSpec((H, H), lambda i: (0, 0)),
            pl.BlockSpec((H, H), lambda i: (0, 0)),
        ],
        out_specs=pl.BlockSpec((9, blk, H), lambda i: (0, i, 0)),
        out_shape=jax.ShapeDtypeStruct((9, NPAD, H), jnp.float32),
    )(t_acc, ln_g, ln_b, ls0t, ls0b, ls1t, ls1b, lt0t, lt1t, lt2t)


def kernel(z, edge_index, edge_weight, edge_vec_norm, edge_attr, emb_w,
           emb2_w, emb2_b, dp1_w, dp1_b, dp2_w, dp2_b, dp3_w, dp3_b,
           lt0_w, lt1_w, lt2_w, ls0_w, ls0_b, ls1_w, ls1_b, ln_g, ln_b):
    f32 = jnp.float32
    i32 = jnp.int32
    dst = edge_index[0].astype(i32)
    src = edge_index[1].astype(i32)

    bucket = dst // NB
    oh = (bucket[:, None] == jnp.arange(NBLK, dtype=i32)[None, :])
    csum = jnp.cumsum(oh.astype(i32), axis=0)
    rank = jnp.sum(jnp.where(oh, csum, 0), axis=1) - 1
    cnt = csum[-1]
    chunks = jnp.maximum((cnt + EB - 1) // EB, 1)
    chunk_start = jnp.concatenate([jnp.zeros((1,), i32),
                                   jnp.cumsum(chunks).astype(i32)])
    cidx = jnp.arange(CT, dtype=i32)
    chunk_nb = jnp.clip(
        jnp.searchsorted(chunk_start, cidx, side="right").astype(i32) - 1,
        0, NBLK - 1)
    prev = jnp.concatenate([jnp.full((1,), -1, i32), chunk_nb[:-1]])
    chunk_first = (chunk_nb != prev).astype(i32)
    vcnt = jnp.clip(cnt[chunk_nb] - (cidx - chunk_start[chunk_nb]) * EB,
                    0, EB).astype(i32)

    slot = chunk_start[bucket] * EB + rank
    slotm = jnp.concatenate([slot.astype(i32),
                             jnp.full((EPAD - NEDGES,), S - 1, i32)])
    dstm = jnp.concatenate([dst, jnp.zeros((EPAD - NEDGES,), i32)])
    srcm = jnp.concatenate([src, jnp.zeros((EPAD - NEDGES,), i32)])
    kr = EPAD // SC_K
    slotm = slotm.reshape(kr, SC_K)
    dstm = dstm.reshape(kr, SC_K)
    srcm = srcm.reshape(kr, SC_K)

    w1t = emb2_w[:, :H].T
    w2t = emb2_w[:, H:].T
    d1t = dp1_w.T
    d2t = dp2_w.T
    d3t = dp3_w.T
    dbias = jnp.stack([dp1_b, dp2_b, dp3_b])
    eb2b = emb2_b.reshape(1, H)
    perm = (jnp.arange(3 * H) % H) * 3 + jnp.arange(3 * H) // H
    ls1t = ls1_w.T[:, perm]
    ls1b = ls1_b[perm].reshape(1, 3 * H)
    ls0t = ls0_w.T
    ls0b = ls0_b.reshape(1, 2 * H)
    lt0t = lt0_w.T
    lt1t = lt1_w.T
    lt2t = lt2_w.T

    dloc_e = (dst - bucket * NB).astype(f32)
    feat = jnp.concatenate([
        edge_attr.astype(f32),
        edge_vec_norm.astype(f32),
        edge_weight.astype(f32)[:, None],
        dloc_e[:, None],
        jnp.zeros((NEDGES, FEATW - NRBF - 5), f32),
    ], axis=1)
    feat = jnp.concatenate([feat, jnp.zeros((EPAD - NEDGES, FEATW), f32)])

    z_f = jnp.concatenate([z.astype(f32),
                           jnp.full((NPAD - NNODES,), -1.0, f32)])

    zw1, zw2 = _node_precompute(z_f, emb_w.astype(f32), w1t, w2t)

    feat_s, zij_s = _sc_scatter(feat, slotm, dstm, srcm, zw1, zw2)

    t_acc = _edge_accumulate(feat_s, zij_s, chunk_nb, chunk_first, vcnt,
                             d1t, d2t, d3t, dbias, eb2b)

    out9 = _final_stage(t_acc, ln_g.reshape(1, H), ln_b.reshape(1, H),
                        ls0t, ls0b, ls1t, ls1b, lt0t, lt1t, lt2t)

    out = out9[:, :NNODES, :].transpose(1, 2, 0).reshape(NNODES, H, 3, 3)
    return out

# --- scband reference (transcript-rebuilt; emitter-appended) ---
"""Pipeline reference for scband-tensor-embedding-65060164599843 (READ-ONLY COPY).

The authoritative reference and input builder live on the scoring server;
editing this copy changes nothing except your own understanding.
"""

import jax, jax.numpy as jnp
import numpy as np

H = 128
NRBF = 32
NNODES = 10000
NEDGES = 160000
MAXZ = 128
CUT_UPPER = 5.0


def cosine_cutoff(d):
    return 0.5 * (jnp.cos(d * jnp.pi / CUT_UPPER) + 1.0) * (d < CUT_UPPER).astype(d.dtype)


def vector_to_skewtensor(v):
    zero = jnp.zeros(v.shape[0], dtype=v.dtype)
    t = jnp.stack([zero, -v[:, 2], v[:, 1], v[:, 2], zero, -v[:, 0], -v[:, 1], v[:, 0], zero], axis=1)
    return t.reshape(-1, 3, 3)


def vector_to_symtensor(v):
    t = v[:, :, None] * v[:, None, :]
    I = (jnp.trace(t, axis1=-2, axis2=-1) / 3.0)[..., None, None] * jnp.eye(3, dtype=v.dtype)
    return 0.5 * (t + jnp.swapaxes(t, -1, -2)) - I


def setup_inputs(seed: int = 0) -> dict:
    key = jax.random.key(seed)
    ks = jax.random.split(key, 24)
    s = 0.05
    inp = {}
    inp["z"] = jax.random.randint(ks[0], (NNODES,), 0, MAXZ)
    inp["edge_index"] = jax.random.randint(ks[1], (2, NEDGES), 0, NNODES)
    inp["edge_weight"] = jax.random.uniform(ks[2], (NEDGES,), dtype=jnp.float32)
    inp["edge_vec_norm"] = jax.random.normal(ks[3], (NEDGES, 3), dtype=jnp.float32)
    inp["edge_attr"] = jax.random.normal(ks[4], (NEDGES, NRBF), dtype=jnp.float32)
    inp["emb_w"] = jax.random.normal(ks[5], (MAXZ, H), dtype=jnp.float32) * s
    inp["emb2_w"] = jax.random.normal(ks[6], (H, 2 * H), dtype=jnp.float32) * s
    inp["emb2_b"] = jnp.zeros((H,), dtype=jnp.float32)
    inp["dp1_w"] = jax.random.normal(ks[7], (H, NRBF), dtype=jnp.float32) * s
    inp["dp1_b"] = jnp.zeros((H,), dtype=jnp.float32)
    inp["dp2_w"] = jax.random.normal(ks[8], (H, NRBF), dtype=jnp.float32) * s
    inp["dp2_b"] = jnp.zeros((H,), dtype=jnp.float32)
    inp["dp3_w"] = jax.random.normal(ks[9], (H, NRBF), dtype=jnp.float32) * s
    inp["dp3_b"] = jnp.zeros((H,), dtype=jnp.float32)
    inp["lt0_w"] = jax.random.normal(ks[10], (H, H), dtype=jnp.float32) * s
    inp["lt1_w"] = jax.random.normal(ks[11], (H, H), dtype=jnp.float32) * s
    inp["lt2_w"] = jax.random.normal(ks[12], (H, H), dtype=jnp.float32) * s
    inp["ls0_w"] = jax.random.normal(ks[13], (2 * H, H), dtype=jnp.float32) * s
    inp["ls0_b"] = jnp.zeros((2 * H,), dtype=jnp.float32)
    inp["ls1_w"] = jax.random.normal(ks[14], (3 * H, 2 * H), dtype=jnp.float32) * s
    inp["ls1_b"] = jnp.zeros((3 * H,), dtype=jnp.float32)
    inp["ln_g"] = jnp.ones((H,), dtype=jnp.float32)
    inp["ln_b"] = jnp.zeros((H,), dtype=jnp.float32)
    return inp


def reference(z, edge_index, edge_weight, edge_vec_norm, edge_attr, emb_w, emb2_w, emb2_b,
              dp1_w, dp1_b, dp2_w, dp2_b, dp3_w, dp3_b, lt0_w, lt1_w, lt2_w,
              ls0_w, ls0_b, ls1_w, ls1_b, ln_g, ln_b):
    # atomic number message (embedding gather + linear on concatenated src/dst embeddings)
    Z = jnp.take(emb_w, z, axis=0)
    Zcat = jnp.concatenate([Z[edge_index[0]], Z[edge_index[1]]], axis=-1)
    Zij = (Zcat @ emb2_w.T + emb2_b)[:, :, None, None]
    # tensor messages
    C = cosine_cutoff(edge_weight)[:, None, None, None] * Zij
    eye = jnp.eye(3, dtype=C.dtype)[None, None, :, :]
    Iij = (edge_attr @ dp1_w.T + dp1_b)[:, :, None, None] * C * eye
    Aij = (edge_attr @ dp2_w.T + dp2_b)[:, :, None, None] * C * vector_to_skewtensor(edge_vec_norm)[:, None, :, :]
    Sij = (edge_attr @ dp3_w.T + dp3_b)[:, :, None, None] * C * vector_to_symtensor(edge_vec_norm)[:, None, :, :]
    # scatter-add messages to destination nodes (edge_index[0])
    n = z.shape[0]
    I = jnp.zeros((n, H, 3, 3), dtype=Iij.dtype).at[edge_index[0]].add(Iij)
    A = jnp.zeros((n, H, 3, 3), dtype=Aij.dtype).at[edge_index[0]].add(Aij)
    S = jnp.zeros((n, H, 3, 3), dtype=Sij.dtype).at[edge_index[0]].add(Sij)
    # scalar path
    nrm = jnp.sum((I + A + S) ** 2, axis=(-2, -1))
    mu = jnp.mean(nrm, axis=-1, keepdims=True)
    var = jnp.var(nrm, axis=-1, keepdims=True)
    nrm = (nrm - mu) / jnp.sqrt(var + 1e-5) * ln_g + ln_b
    nrm = jax.nn.silu(nrm @ ls0_w.T + ls0_b)
    nrm = jax.nn.silu(nrm @ ls1_w.T + ls1_b)
    nrm = nrm.reshape(-1, H, 3)
    # channel-mixing linears on tensor components
    I = jnp.einsum('nhij,oh->noij', I, lt0_w) * nrm[:, :, 0][:, :, None, None]
    A = jnp.einsum('nhij,oh->noij', A, lt1_w) * nrm[:, :, 1][:, :, None, None]
    S = jnp.einsum('nhij,oh->noij', S, lt2_w) * nrm[:, :, 2][:, :, None, None]
    return I + A + S

if __name__ == "__main__":
    import jax
    _d = setup_inputs()
    print(jax.jit(kernel)(*tuple(_d.values())))

</pallas_src>

<mosaic_0001>
#map = affine_map<(d0, d1) -> (0, 0)>
module attributes {stable_mosaic.version = 14 : i64} {
  func.func @_sc_scatter_body(%arg0: i32, %arg1: i32, %arg2: memref<163840x128xf32, #tpu.memory_space<hbm>>, %arg3: memref<1280x128xi32, #tpu.memory_space<hbm>>, %arg4: memref<1280x128xi32, #tpu.memory_space<hbm>>, %arg5: memref<1280x128xi32, #tpu.memory_space<hbm>>, %arg6: memref<10240x128xf32, #tpu.memory_space<hbm>>, %arg7: memref<10240x128xf32, #tpu.memory_space<hbm>>, %arg8: memref<172032x128xf32, #tpu.memory_space<hbm>>, %arg9: memref<172032x128xf32, #tpu.memory_space<hbm>>, %arg10: memref<40x128xi32, #tpu.memory_space<vmem>>, %arg11: memref<40x128xi32, #tpu.memory_space<vmem>>, %arg12: memref<40x128xi32, #tpu.memory_space<vmem>>, %arg13: memref<128x128xf32, #tpu.memory_space<vmem>>, %arg14: memref<128x128xf32, #tpu.memory_space<vmem>>, %arg15: memref<128x128xf32, #tpu.memory_space<vmem>>, %arg16: memref<128x128xf32, #tpu.memory_space<vmem>>, %arg17: memref<128x128xf32, #tpu.memory_space<vmem>>, %arg18: memref<128x128xf32, #tpu.memory_space<vmem>>, %arg19: memref<!tpu.dma_semaphore, #tpu.memory_space<semaphore_mem>>, %arg20: memref<!tpu.dma_semaphore, #tpu.memory_space<semaphore_mem>>, %arg21: memref<!tpu.dma_semaphore, #tpu.memory_space<semaphore_mem>>, %arg22: memref<!tpu.dma_semaphore, #tpu.memory_space<semaphore_mem>>) attributes {dimension_semantics = [#tpu.dimension_semantics<core_parallel>, #tpu.dimension_semantics<subcore_parallel>], iteration_bounds = array<i64: 2, 16>, scalar_prefetch = 0 : i64, scratch_operands = 13 : i64, tpu.core_type = #tpu.core_type<sc_vector_subcore>, window_params = [{transform_indices = #map}, {transform_indices = #map}, {transform_indices = #map}, {transform_indices = #map}, {transform_indices = #map}, {transform_indices = #map}, {transform_indices = #map}, {transform_indices = #map}]} {
    %mul3A = arith.constant 2 : i32
    %mul3A_0 = arith.muli %arg1, %mul3A : i32
    %add3A = arith.addi %mul3A_0, %arg0 : i32
    %mul3A_1 = arith.constant 40 : i32
    %mul3A_2 = arith.muli %add3A, %mul3A_1 : i32
    %mul3A_3 = arith.constant 5120 : i32
    %mul3A_4 = arith.muli %add3A, %mul3A_3 : i32
    "tpu.region"() ({
      %run_scoped3A = tpu.sem_alloc : memref<!tpu.dma_semaphore, #tpu.memory_space<semaphore_mem>>
      %dma_start3A = arith.constant 0 : i32
      %dma_start3A_33 = tpu.memref_slice %arg3[%mul3A_2, %dma_start3A] : memref<1280x128xi32, #tpu.memory_space<hbm>> -> memref<40x128xi32, #tpu.memory_space<hbm>>
      %dma_start3A_34 = arith.constant 0 : i32
      %dma_start3A_35 = tpu.memref_slice %arg3[%mul3A_2, %dma_start3A_34] : memref<1280x128xi32, #tpu.memory_space<hbm>> -> memref<40x128xi32, #tpu.memory_space<hbm>>
      tpu.enqueue_dma source(%dma_start3A_35 : memref<40x128xi32, #tpu.memory_space<hbm>>) target(%arg10 : memref<40x128xi32, #tpu.memory_space<vmem>>) target_semaphore(%run_scoped3A : memref<!tpu.dma_semaphore, #tpu.memory_space<semaphore_mem>>)
      %dma_wait3A_36 = arith.constant 0 : i32
      %dma_wait3A_37 = tpu.memref_slice %arg3[%mul3A_2, %dma_wait3A_36] : memref<1280x128xi32, #tpu.memory_space<hbm>> -> memref<40x128xi32, #tpu.memory_space<hbm>>
      %dma_wait3A_38 = arith.constant 0 : i32
      %dma_wait3A_39 = tpu.memref_slice %arg3[%mul3A_2, %dma_wait3A_38] : memref<1280x128xi32, #tpu.memory_space<hbm>> -> memref<40x128xi32, #tpu.memory_space<hbm>>
      tpu.wait_dma2 semaphore(%run_scoped3A : memref<!tpu.dma_semaphore, #tpu.memory_space<semaphore_mem>>) src(%dma_wait3A_39 : memref<40x128xi32, #tpu.memory_space<hbm>>) dst(%arg10 : memref<40x128xi32, #tpu.memory_space<vmem>>)
      tpu.yield
    }) : () -> ()
    "tpu.region"() ({
      %run_scoped3A = tpu.sem_alloc : memref<!tpu.dma_semaphore, #tpu.memory_space<semaphore_mem>>
      %dma_start3A = arith.constant 0 : i32
      %dma_start3A_33 = tpu.memref_slice %arg4[%mul3A_2, %dma_start3A] : memref<1280x128xi32, #tpu.memory_space<hbm>> -> memref<40x128xi32, #tpu.memory_space<hbm>>
      %dma_start3A_34 = arith.constant 0 : i32
      %dma_start3A_35 = tpu.memref_slice %arg4[%mul3A_2, %dma_start3A_34] : memref<1280x128xi32, #tpu.memory_space<hbm>> -> memref<40x128xi32, #tpu.memory_space<hbm>>
      tpu.enqueue_dma source(%dma_start3A_35 : memref<40x128xi32, #tpu.memory_space<hbm>>) target(%arg11 : memref<40x128xi32, #tpu.memory_space<vmem>>) target_semaphore(%run_scoped3A : memref<!tpu.dma_semaphore, #tpu.memory_space<semaphore_mem>>)
      %dma_wait3A_36 = arith.constant 0 : i32
      %dma_wait3A_37 = tpu.memref_slice %arg4[%mul3A_2, %dma_wait3A_36] : memref<1280x128xi32, #tpu.memory_space<hbm>> -> memref<40x128xi32, #tpu.memory_space<hbm>>
      %dma_wait3A_38 = arith.constant 0 : i32
      %dma_wait3A_39 = tpu.memref_slice %arg4[%mul3A_2, %dma_wait3A_38] : memref<1280x128xi32, #tpu.memory_space<hbm>> -> memref<40x128xi32, #tpu.memory_space<hbm>>
      tpu.wait_dma2 semaphore(%run_scoped3A : memref<!tpu.dma_semaphore, #tpu.memory_space<semaphore_mem>>) src(%dma_wait3A_39 : memref<40x128xi32, #tpu.memory_space<hbm>>) dst(%arg11 : memref<40x128xi32, #tpu.memory_space<vmem>>)
      tpu.yield
    }) : () -> ()
    "tpu.region"() ({
      %run_scoped3A = tpu.sem_alloc : memref<!tpu.dma_semaphore, #tpu.memory_space<semaphore_mem>>
      %dma_start3A = arith.constant 0 : i32
      %dma_start3A_33 = tpu.memref_slice %arg5[%mul3A_2, %dma_start3A] : memref<1280x128xi32, #tpu.memory_space<hbm>> -> memref<40x128xi32, #tpu.memory_space<hbm>>
      %dma_start3A_34 = arith.constant 0 : i32
      %dma_start3A_35 = tpu.memref_slice %arg5[%mul3A_2, %dma_start3A_34] : memref<1280x128xi32, #tpu.memory_space<hbm>> -> memref<40x128xi32, #tpu.memory_space<hbm>>
      tpu.enqueue_dma source(%dma_start3A_35 : memref<40x128xi32, #tpu.memory_space<hbm>>) target(%arg12 : memref<40x128xi32, #tpu.memory_space<vmem>>) target_semaphore(%run_scoped3A : memref<!tpu.dma_semaphore, #tpu.memory_space<semaphore_mem>>)
      %dma_wait3A_36 = arith.constant 0 : i32
      %dma_wait3A_37 = tpu.memref_slice %arg5[%mul3A_2, %dma_wait3A_36] : memref<1280x128xi32, #tpu.memory_space<hbm>> -> memref<40x128xi32, #tpu.memory_space<hbm>>
      %dma_wait3A_38 = arith.constant 0 : i32
      %dma_wait3A_39 = tpu.memref_slice %arg5[%mul3A_2, %dma_wait3A_38] : memref<1280x128xi32, #tpu.memory_space<hbm>> -> memref<40x128xi32, #tpu.memory_space<hbm>>
      tpu.wait_dma2 semaphore(%run_scoped3A : memref<!tpu.dma_semaphore, #tpu.memory_space<semaphore_mem>>) src(%dma_wait3A_39 : memref<40x128xi32, #tpu.memory_space<hbm>>) dst(%arg12 : memref<40x128xi32, #tpu.memory_space<vmem>>)
      tpu.yield
    }) : () -> ()
    %scan3A = arith.constant 0 : i32
    %scan3A_5 = arith.constant 0 : i32
    %scan3A_6 = arith.constant 20 : i32
    %scan3A_7 = arith.addi %scan3A_5, %scan3A_6 : i32
    %scan3A_8 = arith.constant 1 : i32
    scf.for %scan3A_33 = %scan3A_5 to %scan3A_7 step %scan3A_8  : i32 {
      %gt3A = arith.constant 0 : i32
      %gt3A_34 = arith.cmpi sgt, %scan3A_33, %gt3A : i32
      %convert_element_type3A = arith.extui %gt3A_34 : i1 to i32
      %cond3A = arith.constant 0 : i32
      %cond3A_35 = arith.cmpi ne, %convert_element_type3A, %cond3A : i32
      scf.if %cond3A_35 {
        %dma_wait3A_166 = arith.constant 0 : i32
        %dma_wait3A_167 = arith.constant 0 : i32
        %dma_wait3A_168 = tpu.memref_slice %arg2[%dma_wait3A_166, %dma_wait3A_167] : memref<163840x128xf32, #tpu.memory_space<hbm>> -> memref<128x128xf32, #tpu.memory_space<hbm>>
        %dma_wait3A_169 = arith.constant 0 : i32
        %dma_wait3A_170 = arith.constant 0 : i32
        %dma_wait3A_171 = tpu.memref_slice %arg2[%dma_wait3A_169, %dma_wait3A_170] : memref<163840x128xf32, #tpu.memory_space<hbm>> -> memref<128x128xf32, #tpu.memory_space<hbm>>
        tpu.wait_dma2 semaphore(%arg21 : memref<!tpu.dma_semaphore, #tpu.memory_space<semaphore_mem>>) src(%dma_wait3A_171 : memref<128x128xf32, #tpu.memory_space<hbm>>) dst(%arg13 : memref<128x128xf32, #tpu.memory_space<vmem>>)
        %dma_wait3A_172 = arith.constant 0 : i32
        %dma_wait3A_173 = arith.constant 0 : i32
        %dma_wait3A_174 = tpu.memref_slice %arg6[%dma_wait3A_172, %dma_wait3A_173] : memref<10240x128xf32, #tpu.memory_space<hbm>> -> memref<128x128xf32, #tpu.memory_space<hbm>>
        %dma_wait3A_175 = arith.constant 0 : i32
        %dma_wait3A_176 = arith.constant 0 : i32
        %dma_wait3A_177 = tpu.memref_slice %arg6[%dma_wait3A_175, %dma_wait3A_176] : memref<10240x128xf32, #tpu.memory_space<hbm>> -> memref<128x128xf32, #tpu.memory_space<hbm>>
        tpu.wait_dma2 semaphore(%arg21 : memref<!tpu.dma_semaphore, #tpu.memory_space<semaphore_mem>>) src(%dma_wait3A_177 : memref<128x128xf32, #tpu.memory_space<hbm>>) dst(%arg15 : memref<128x128xf32, #tpu.memory_space<vmem>>)
      } else {
      }
      %mul3A_36 = arith.constant 2 : i32
      %mul3A_37 = arith.muli %mul3A_36, %scan3A_33 : i32
      %add3A_38 = arith.constant 0 : i32
      %add3A_39 = arith.addi %mul3A_37, %add3A_38 : i32
      %mul3A_40 = arith.constant 128 : i32
      %mul3A_41 = arith.muli %add3A_39, %mul3A_40 : i32
      %add3A_42 = arith.addi %mul3A_4, %mul3A_41 : i32
      %dma_start3A = arith.constant 0 : i32
      %dma_start3A_43 = tpu.memref_slice %arg2[%add3A_42, %dma_start3A] : memref<163840x128xf32, #tpu.memory_space<hbm>> -> memref<128x128xf32, #tpu.memory_space<hbm>>
      %dma_start3A_44 = arith.constant 0 : i32
      %dma_start3A_45 = tpu.memref_slice %arg2[%add3A_42, %dma_start3A_44] : memref<163840x128xf32, #tpu.memory_space<hbm>> -> memref<128x128xf32, #tpu.memory_space<hbm>>
      tpu.enqueue_dma source(%dma_start3A_45 : memref<128x128xf32, #tpu.memory_space<hbm>>) target(%arg13 : memref<128x128xf32, #tpu.memory_space<vmem>>) target_semaphore(%arg19 : memref<!tpu.dma_semaphore, #tpu.memory_space<semaphore_mem>>)
      %dma_start3A_46 = arith.constant 0 : i32
      %dma_start3A_47 = tpu.memref_slice %arg11[%add3A_39, %dma_start3A_46] : memref<40x128xi32, #tpu.memory_space<vmem>> -> memref<1x128xi32, #tpu.memory_space<vmem>>
      %dma_start3A_48 = tpu.memref_squeeze %dma_start3A_47 : memref<1x128xi32, #tpu.memory_space<vmem>> -> memref<128xi32, #tpu.memory_space<vmem>>
      %dma_start3A_49 = arith.constant 0 : i32
      %dma_start3A_50 = arith.constant 0 : i32
      %dma_start3A_51 = tpu.memref_slice %arg6[%dma_start3A_49, %dma_start3A_50] : memref<10240x128xf32, #tpu.memory_space<hbm>> -> memref<10240x128xf32, #tpu.memory_space<hbm>>
      tpu.enqueue_indirect_dma source(%dma_start3A_51 : memref<10240x128xf32, #tpu.memory_space<hbm>>) target(%arg15 : memref<128x128xf32, #tpu.memory_space<vmem>>) offsets(%dma_start3A_48 : memref<128xi32, #tpu.memory_space<vmem>>) semaphore(%arg19 : memref<!tpu.dma_semaphore, #tpu.memory_space<semaphore_mem>>)
      %dma_start3A_52 = arith.constant 0 : i32
      %dma_start3A_53 = tpu.memref_slice %arg12[%add3A_39, %dma_start3A_52] : memref<40x128xi32, #tpu.memory_space<vmem>> -> memref<1x128xi32, #tpu.memory_space<vmem>>
      %dma_start3A_54 = tpu.memref_squeeze %dma_start3A_53 : memref<1x128xi32, #tpu.memory_space<vmem>> -> memref<128xi32, #tpu.memory_space<vmem>>
      %dma_start3A_55 = arith.constant 0 : i32
      %dma_start3A_56 = arith.constant 0 : i32
      %dma_start3A_57 = tpu.memref_slice %arg7[%dma_start3A_55, %dma_start3A_56] : memref<10240x128xf32, #tpu.memory_space<hbm>> -> memref<10240x128xf32, #tpu.memory_space<hbm>>
      tpu.enqueue_indirect_dma source(%dma_start3A_57 : memref<10240x128xf32, #tpu.memory_space<hbm>>) target(%arg17 : memref<128x128xf32, #tpu.memory_space<vmem>>) offsets(%dma_start3A_54 : memref<128xi32, #tpu.memory_space<vmem>>) semaphore(%arg19 : memref<!tpu.dma_semaphore, #tpu.memory_space<semaphore_mem>>)
      %gt3A_58 = arith.constant 0 : i32
      %gt3A_59 = arith.cmpi sgt, %scan3A_33, %gt3A_58 : i32
      %convert_element_type3A_60 = arith.extui %gt3A_59 : i1 to i32
      %cond3A_61 = arith.constant 0 : i32
      %cond3A_62 = arith.cmpi ne, %convert_element_type3A_60, %cond3A_61 : i32
      scf.if %cond3A_62 {
        %dma_wait3A_166 = arith.constant 0 : i32
        %dma_wait3A_167 = arith.constant 0 : i32
        %dma_wait3A_168 = tpu.memref_slice %arg2[%dma_wait3A_166, %dma_wait3A_167] : memref<163840x128xf32, #tpu.memory_space<hbm>> -> memref<128x128xf32, #tpu.memory_space<hbm>>
        %dma_wait3A_169 = arith.constant 0 : i32
        %dma_wait3A_170 = arith.constant 0 : i32
        %dma_wait3A_171 = tpu.memref_slice %arg2[%dma_wait3A_169, %dma_wait3A_170] : memref<163840x128xf32, #tpu.memory_space<hbm>> -> memref<128x128xf32, #tpu.memory_space<hbm>>
        tpu.wait_dma2 semaphore(%arg22 : memref<!tpu.dma_semaphore, #tpu.memory_space<semaphore_mem>>) src(%dma_wait3A_171 : memref<128x128xf32, #tpu.memory_space<hbm>>) dst(%arg14 : memref<128x128xf32, #tpu.memory_space<vmem>>)
        %dma_wait3A_172 = arith.constant 0 : i32
        %dma_wait3A_173 = arith.constant 0 : i32
        %dma_wait3A_174 = tpu.memref_slice %arg6[%dma_wait3A_172, %dma_wait3A_173] : memref<10240x128xf32, #tpu.memory_space<hbm>> -> memref<128x128xf32, #tpu.memory_space<hbm>>
        %dma_wait3A_175 = arith.constant 0 : i32
        %dma_wait3A_176 = arith.constant 0 : i32
        %dma_wait3A_177 = tpu.memref_slice %arg6[%dma_wait3A_175, %dma_wait3A_176] : memref<10240x128xf32, #tpu.memory_space<hbm>> -> memref<128x128xf32, #tpu.memory_space<hbm>>
        tpu.wait_dma2 semaphore(%arg22 : memref<!tpu.dma_semaphore, #tpu.memory_space<semaphore_mem>>) src(%dma_wait3A_177 : memref<128x128xf32, #tpu.memory_space<hbm>>) dst(%arg16 : memref<128x128xf32, #tpu.memory_space<vmem>>)
      } else {
      }
      %mul3A_63 = arith.constant 2 : i32
      %mul3A_64 = arith.muli %mul3A_63, %scan3A_33 : i32
      %add3A_65 = arith.constant 1 : i32
      %add3A_66 = arith.addi %mul3A_64, %add3A_65 : i32
      %mul3A_67 = arith.constant 128 : i32
      %mul3A_68 = arith.muli %add3A_66, %mul3A_67 : i32
      %add3A_69 = arith.addi %mul3A_4, %mul3A_68 : i32
      %dma_start3A_70 = arith.constant 0 : i32
      %dma_start3A_71 = tpu.memref_slice %arg2[%add3A_69, %dma_start3A_70] : memref<163840x128xf32, #tpu.memory_space<hbm>> -> memref<128x128xf32, #tpu.memory_space<hbm>>
      %dma_start3A_72 = arith.constant 0 : i32
      %dma_start3A_73 = tpu.memref_slice %arg2[%add3A_69, %dma_start3A_72] : memref<163840x128xf32, #tpu.memory_space<hbm>> -> memref<128x128xf32, #tpu.memory_space<hbm>>
      tpu.enqueue_dma source(%dma_start3A_73 : memref<128x128xf32, #tpu.memory_space<hbm>>) target(%arg14 : memref<128x128xf32, #tpu.memory_space<vmem>>) target_semaphore(%arg20 : memref<!tpu.dma_semaphore, #tpu.memory_space<semaphore_mem>>)
      %dma_start3A_74 = arith.constant 0 : i32
      %dma_start3A_75 = tpu.memref_slice %arg11[%add3A_66, %dma_start3A_74] : memref<40x128xi32, #tpu.memory_space<vmem>> -> memref<1x128xi32, #tpu.memory_space<vmem>>
      %dma_start3A_76 = tpu.memref_squeeze %dma_start3A_75 : memref<1x128xi32, #tpu.memory_space<vmem>> -> memref<128xi32, #tpu.memory_space<vmem>>
      %dma_start3A_77 = arith.constant 0 : i32
      %dma_start3A_78 = arith.constant 0 : i32
      %dma_start3A_79 = tpu.memref_slice %arg6[%dma_start3A_77, %dma_start3A_78] : memref<10240x128xf32, #tpu.memory_space<hbm>> -> memref<10240x128xf32, #tpu.memory_space<hbm>>
      tpu.enqueue_indirect_dma source(%dma_start3A_79 : memref<10240x128xf32, #tpu.memory_space<hbm>>) target(%arg16 : memref<128x128xf32, #tpu.memory_space<vmem>>) offsets(%dma_start3A_76 : memref<128xi32, #tpu.memory_space<vmem>>) semaphore(%arg20 : memref<!tpu.dma_semaphore, #tpu.memory_space<semaphore_mem>>)
      %dma_start3A_80 = arith.constant 0 : i32
      %dma_start3A_81 = tpu.memref_slice %arg12[%add3A_66, %dma_start3A_80] : memref<40x128xi32, #tpu.memory_space<vmem>> -> memref<1x128xi32, #tpu.memory_space<vmem>>
      %dma_start3A_82 = tpu.memref_squeeze %dma_start3A_81 : memref<1x128xi32, #tpu.memory_space<vmem>> -> memref<128xi32, #tpu.memory_space<vmem>>
      %dma_start3A_83 = arith.constant 0 : i32
      %dma_start3A_84 = arith.constant 0 : i32
      %dma_start3A_85 = tpu.memref_slice %arg7[%dma_start3A_83, %dma_start3A_84] : memref<10240x128xf32, #tpu.memory_space<hbm>> -> memref<10240x128xf32, #tpu.memory_space<hbm>>
      tpu.enqueue_indirect_dma source(%dma_start3A_85 : memref<10240x128xf32, #tpu.memory_space<hbm>>) target(%arg18 : memref<128x128xf32, #tpu.memory_space<vmem>>) offsets(%dma_start3A_82 : memref<128xi32, #tpu.memory_space<vmem>>) semaphore(%arg20 : memref<!tpu.dma_semaphore, #tpu.memory_space<semaphore_mem>>)
      %dma_wait3A_86 = arith.constant 0 : i32
      %dma_wait3A_87 = arith.constant 0 : i32
      %dma_wait3A_88 = tpu.memref_slice %arg2[%dma_wait3A_86, %dma_wait3A_87] : memref<163840x128xf32, #tpu.memory_space<hbm>> -> memref<128x128xf32, #tpu.memory_space<hbm>>
      %dma_wait3A_89 = arith.constant 0 : i32
      %dma_wait3A_90 = arith.constant 0 : i32
      %dma_wait3A_91 = tpu.memref_slice %arg2[%dma_wait3A_89, %dma_wait3A_90] : memref<163840x128xf32, #tpu.memory_space<hbm>> -> memref<128x128xf32, #tpu.memory_space<hbm>>
      tpu.wait_dma2 semaphore(%arg19 : memref<!tpu.dma_semaphore, #tpu.memory_space<semaphore_mem>>) src(%dma_wait3A_91 : memref<128x128xf32, #tpu.memory_space<hbm>>) dst(%arg13 : memref<128x128xf32, #tpu.memory_space<vmem>>)
      %dma_wait3A_92 = arith.constant 0 : i32
      %dma_wait3A_93 = arith.constant 0 : i32
      %dma_wait3A_94 = tpu.memref_slice %arg6[%dma_wait3A_92, %dma_wait3A_93] : memref<10240x128xf32, #tpu.memory_space<hbm>> -> memref<128x128xf32, #tpu.memory_space<hbm>>
      %dma_wait3A_95 = arith.constant 0 : i32
      %dma_wait3A_96 = arith.constant 0 : i32
      %dma_wait3A_97 = tpu.memref_slice %arg6[%dma_wait3A_95, %dma_wait3A_96] : memref<10240x128xf32, #tpu.memory_space<hbm>> -> memref<128x128xf32, #tpu.memory_space<hbm>>
      tpu.wait_dma2 semaphore(%arg19 : memref<!tpu.dma_semaphore, #tpu.memory_space<semaphore_mem>>) src(%dma_wait3A_97 : memref<128x128xf32, #tpu.memory_space<hbm>>) dst(%arg15 : memref<128x128xf32, #tpu.memory_space<vmem>>)
      %dma_wait3A_98 = arith.constant 0 : i32
      %dma_wait3A_99 = arith.constant 0 : i32
      %dma_wait3A_100 = tpu.memref_slice %arg7[%dma_wait3A_98, %dma_wait3A_99] : memref<10240x128xf32, #tpu.memory_space<hbm>> -> memref<128x128xf32, #tpu.memory_space<hbm>>
      %dma_wait3A_101 = arith.constant 0 : i32
      %dma_wait3A_102 = arith.constant 0 : i32
      %dma_wait3A_103 = tpu.memref_slice %arg7[%dma_wait3A_101, %dma_wait3A_102] : memref<10240x128xf32, #tpu.memory_space<hbm>> -> memref<128x128xf32, #tpu.memory_space<hbm>>
      tpu.wait_dma2 semaphore(%arg19 : memref<!tpu.dma_semaphore, #tpu.memory_space<semaphore_mem>>) src(%dma_wait3A_103 : memref<128x128xf32, #tpu.memory_space<hbm>>) dst(%arg17 : memref<128x128xf32, #tpu.memory_space<vmem>>)
      %mul3A_104 = arith.constant 2 : i32
      %mul3A_105 = arith.muli %mul3A_104, %scan3A_33 : i32
      %add3A_106 = arith.constant 0 : i32
      %add3A_107 = arith.addi %mul3A_105, %add3A_106 : i32
      %scan3A_108 = arith.constant 0 : i32
      %scan3A_109 = arith.constant 0 : i32
      %scan3A_110 = arith.constant 128 : i32
      %scan3A_111 = arith.addi %scan3A_109, %scan3A_110 : i32
      %scan3A_112 = arith.constant 1 : i32
      scf.for %scan3A_166 = %scan3A_109 to %scan3A_111 step %scan3A_112  : i32 {
        %get3A = arith.index_cast %scan3A_166 : i32 to index
        %get3A_167 = arith.constant 0 : index
        %get3A_168 = tpu.vector_load %arg15[%get3A, %get3A_167] {strides = array<i32>} : memref<128x128xf32, #tpu.memory_space<vmem>>, vector<1x16xf32>,
        %get3A_169 = vector.shape_cast %get3A_168 : vector<1x16xf32> to vector<16xf32>
        %get3A_170 = arith.index_cast %scan3A_166 : i32 to index
        %get3A_171 = arith.constant 0 : index
        %get3A_172 = tpu.vector_load %arg17[%get3A_170, %get3A_171] {strides = array<i32>} : memref<128x128xf32, #tpu.memory_space<vmem>>, vector<1x16xf32>,
        %get3A_173 = vector.shape_cast %get3A_172 : vector<1x16xf32> to vector<16xf32>
        %add3A_174 = arith.addf %get3A_169, %get3A_173 : vector<16xf32>
        %swap3A = arith.index_cast %scan3A_166 : i32 to index
        %swap3A_175 = arith.constant 0 : index
        %swap3A_176 = tpu.vector_load %arg15[%swap3A, %swap3A_175] {strides = array<i32>} : memref<128x128xf32, #tpu.memory_space<vmem>>, vector<1x16xf32>,
        %swap3A_177 = vector.shape_cast %swap3A_176 : vector<1x16xf32> to vector<16xf32>
        %swap3A_178 = vector.shape_cast %add3A_174 : vector<16xf32> to vector<1x16xf32>
        tpu.vector_store %arg15[%swap3A, %swap3A_175], %swap3A_178 {strides = array<i32>} : memref<128x128xf32, #tpu.memory_space<vmem>>, vector<1x16xf32>,
        %get3A_179 = arith.index_cast %scan3A_166 : i32 to index
        %get3A_180 = arith.constant 16 : index
        %get3A_181 = tpu.vector_load %arg15[%get3A_179, %get3A_180] {strides = array<i32>} : memref<128x128xf32, #tpu.memory_space<vmem>>, vector<1x16xf32>,
        %get3A_182 = vector.shape_cast %get3A_181 : vector<1x16xf32> to vector<16xf32>
        %get3A_183 = arith.index_cast %scan3A_166 : i32 to index
        %get3A_184 = arith.constant 16 : index
        %get3A_185 = tpu.vector_load %arg17[%get3A_183, %get3A_184] {strides = array<i32>} : memref<128x128xf32, #tpu.memory_space<vmem>>, vector<1x16xf32>,
        %get3A_186 = vector.shape_cast %get3A_185 : vector<1x16xf32> to vector<16xf32>
        %add3A_187 = arith.addf %get3A_182, %get3A_186 : vector<16xf32>
        %swap3A_188 = arith.index_cast %scan3A_166 : i32 to index
        %swap3A_189 = arith.constant 16 : index
        %swap3A_190 = tpu.vector_load %arg15[%swap3A_188, %swap3A_189] {strides = array<i32>} : memref<128x128xf32, #tpu.memory_space<vmem>>, vector<1x16xf32>,
        %swap3A_191 = vector.shape_cast %swap3A_190 : vector<1x16xf32> to vector<16xf32>
        %swap3A_192 = vector.shape_cast %add3A_187 : vector<16xf32> to vector<1x16xf32>
        tpu.vector_store %arg15[%swap3A_188, %swap3A_189], %swap3A_192 {strides = array<i32>} : memref<128x128xf32, #tpu.memory_space<vmem>>, vector<1x16xf32>,
        %get3A_193 = arith.index_cast %scan3A_166 : i32 to index
        %get3A_194 = arith.constant 32 : index
        %get3A_195 = tpu.vector_load %arg15[%get3A_193, %get3A_194] {strides = array<i32>} : memref<128x128xf32, #tpu.memory_space<vmem>>, vector<1x16xf32>,
        %get3A_196 = vector.shape_cast %get3A_195 : vector<1x16xf32> to vector<16xf32>
        %get3A_197 = arith.index_cast %scan3A_166 : i32 to index
        %get3A_198 = arith.constant 32 : index
        %get3A_199 = tpu.vector_load %arg17[%get3A_197, %get3A_198] {strides = array<i32>} : memref<128x128xf32, #tpu.memory_space<vmem>>, vector<1x16xf32>,
        %get3A_200 = vector.shape_cast %get3A_199 : vector<1x16xf32> to vector<16xf32>
        %add3A_201 = arith.addf %get3A_196, %get3A_200 : vector<16xf32>
        %swap3A_202 = arith.index_cast %scan3A_166 : i32 to index
        %swap3A_203 = arith.constant 32 : index
        %swap3A_204 = tpu.vector_load %arg15[%swap3A_202, %swap3A_203] {strides = array<i32>} : memref<128x128xf32, #tpu.memory_space<vmem>>, vector<1x16xf32>,
        %swap3A_205 = vector.shape_cast %swap3A_204 : vector<1x16xf32> to vector<16xf32>
        %swap3A_206 = vector.shape_cast %add3A_201 : vector<16xf32> to vector<1x16xf32>
        tpu.vector_store %arg15[%swap3A_202, %swap3A_203], %swap3A_206 {strides = array<i32>} : memref<128x128xf32, #tpu.memory_space<vmem>>, vector<1x16xf32>,
        %get3A_207 = arith.index_cast %scan3A_166 : i32 to index
        %get3A_208 = arith.constant 48 : index
        %get3A_209 = tpu.vector_load %arg15[%get3A_207, %get3A_208] {strides = array<i32>} : memref<128x128xf32, #tpu.memory_space<vmem>>, vector<1x16xf32>,
        %get3A_210 = vector.shape_cast %get3A_209 : vector<1x16xf32> to vector<16xf32>
        %get3A_211 = arith.index_cast %scan3A_166 : i32 to index
        %get3A_212 = arith.constant 48 : index
        %get3A_213 = tpu.vector_load %arg17[%get3A_211, %get3A_212] {strides = array<i32>} : memref<128x128xf32, #tpu.memory_space<vmem>>, vector<1x16xf32>,
        %get3A_214 = vector.shape_cast %get3A_213 : vector<1x16xf32> to vector<16xf32>
        %add3A_215 = arith.addf %get3A_210, %get3A_214 : vector<16xf32>
        %swap3A_216 = arith.index_cast %scan3A_166 : i32 to index
        %swap3A_217 = arith.constant 48 : index
        %swap3A_218 = tpu.vector_load %arg15[%swap3A_216, %swap3A_217] {strides = array<i32>} : memref<128x128xf32, #tpu.memory_space<vmem>>, vector<1x16xf32>,
        %swap3A_219 = vector.shape_cast %swap3A_218 : vector<1x16xf32> to vector<16xf32>
        %swap3A_220 = vector.shape_cast %add3A_215 : vector<16xf32> to vector<1x16xf32>
        tpu.vector_store %arg15[%swap3A_216, %swap3A_217], %swap3A_220 {strides = array<i32>} : memref<128x128xf32, #tpu.memory_space<vmem>>, vector<1x16xf32>,
        %get3A_221 = arith.index_cast %scan3A_166 : i32 to index
        %get3A_222 = arith.constant 64 : index
        %get3A_223 = tpu.vector_load %arg15[%get3A_221, %get3A_222] {strides = array<i32>} : memref<128x128xf32, #tpu.memory_space<vmem>>, vector<1x16xf32>,
        %get3A_224 = vector.shape_cast %get3A_223 : vector<1x16xf32> to vector<16xf32>
        %get3A_225 = arith.index_cast %scan3A_166 : i32 to index
        %get3A_226 = arith.constant 64 : index
        %get3A_227 = tpu.vector_load %arg17[%get3A_225, %get3A_226] {strides = array<i32>} : memref<128x128xf32, #tpu.memory_space<vmem>>, vector<1x16xf32>,
        %get3A_228 = vector.shape_cast %get3A_227 : vector<1x16xf32> to vector<16xf32>
        %add3A_229 = arith.addf %get3A_224, %get3A_228 : vector<16xf32>
        %swap3A_230 = arith.index_cast %scan3A_166 : i32 to index
        %swap3A_231 = arith.constant 64 : index
        %swap3A_232 = tpu.vector_load %arg15[%swap3A_230, %swap3A_231] {strides = array<i32>} : memref<128x128xf32, #tpu.memory_space<vmem>>, vector<1x16xf32>,
        %swap3A_233 = vector.shape_cast %swap3A_232 : vector<1x16xf32> to vector<16xf32>
        %swap3A_234 = vector.shape_cast %add3A_229 : vector<16xf32> to vector<1x16xf32>
        tpu.vector_store %arg15[%swap3A_230, %swap3A_231], %swap3A_234 {strides = array<i32>} : memref<128x128xf32, #tpu.memory_space<vmem>>, vector<1x16xf32>,
        %get3A_235 = arith.index_cast %scan3A_166 : i32 to index
        %get3A_236 = arith.constant 80 : index
        %get3A_237 = tpu.vector_load %arg15[%get3A_235, %get3A_236] {strides = array<i32>} : memref<128x128xf32, #tpu.memory_space<vmem>>, vector<1x16xf32>,
        %get3A_238 = vector.shape_cast %get3A_237 : vector<1x16xf32> to vector<16xf32>
        %get3A_239 = arith.index_cast %scan3A_166 : i32 to index
        %get3A_240 = arith.constant 80 : index
        %get3A_241 = tpu.vector_load %arg17[%get3A_239, %get3A_240] {strides = array<i32>} : memref<128x128xf32, #tpu.memory_space<vmem>>, vector<1x16xf32>,
        %get3A_242 = vector.shape_cast %get3A_241 : vector<1x16xf32> to vector<16xf32>
        %add3A_243 = arith.addf %get3A_238, %get3A_242 : vector<16xf32>
        %swap3A_244 = arith.index_cast %scan3A_166 : i32 to index
        %swap3A_245 = arith.constant 80 : index
        %swap3A_246 = tpu.vector_load %arg15[%swap3A_244, %swap3A_245] {strides = array<i32>} : memref<128x128xf32, #tpu.memory_space<vmem>>, vector<1x16xf32>,
        %swap3A_247 = vector.shape_cast %swap3A_246 : vector<1x16xf32> to vector<16xf32>
        %swap3A_248 = vector.shape_cast %add3A_243 : vector<16xf32> to vector<1x16xf32>
        tpu.vector_store %arg15[%swap3A_244, %swap3A_245], %swap3A_248 {strides = array<i32>} : memref<128x128xf32, #tpu.memory_space<vmem>>, vector<1x16xf32>,
        %get3A_249 = arith.index_cast %scan3A_166 : i32 to index
        %get3A_250 = arith.constant 96 : index
        %get3A_251 = tpu.vector_load %arg15[%get3A_249, %get3A_250] {strides = array<i32>} : memref<128x128xf32, #tpu.memory_space<vmem>>, vector<1x16xf32>,
        %get3A_252 = vector.shape_cast %get3A_251 : vector<1x16xf32> to vector<16xf32>
        %get3A_253 = arith.index_cast %scan3A_166 : i32 to index
        %get3A_254 = arith.constant 96 : index
        %get3A_255 = tpu.vector_load %arg17[%get3A_253, %get3A_254] {strides = array<i32>} : memref<128x128xf32, #tpu.memory_space<vmem>>, vector<1x16xf32>,
        %get3A_256 = vector.shape_cast %get3A_255 : vector<1x16xf32> to vector<16xf32>
        %add3A_257 = arith.addf %get3A_252, %get3A_256 : vector<16xf32>
        %swap3A_258 = arith.index_cast %scan3A_166 : i32 to index
        %swap3A_259 = arith.constant 96 : index
        %swap3A_260 = tpu.vector_load %arg15[%swap3A_258, %swap3A_259] {strides = array<i32>} : memref<128x128xf32, #tpu.memory_space<vmem>>, vector<1x16xf32>,
        %swap3A_261 = vector.shape_cast %swap3A_260 : vector<1x16xf32> to vector<16xf32>
        %swap3A_262 = vector.shape_cast %add3A_257 : vector<16xf32> to vector<1x16xf32>
        tpu.vector_store %arg15[%swap3A_258, %swap3A_259], %swap3A_262 {strides = array<i32>} : memref<128x128xf32, #tpu.memory_space<vmem>>, vector<1x16xf32>,
        %get3A_263 = arith.index_cast %scan3A_166 : i32 to index
        %get3A_264 = arith.constant 112 : index
        %get3A_265 = tpu.vector_load %arg15[%get3A_263, %get3A_264] {strides = array<i32>} : memref<128x128xf32, #tpu.memory_space<vmem>>, vector<1x16xf32>,
        %get3A_266 = vector.shape_cast %get3A_265 : vector<1x16xf32> to vector<16xf32>
        %get3A_267 = arith.index_cast %scan3A_166 : i32 to index
        %get3A_268 = arith.constant 112 : index
        %get3A_269 = tpu.vector_load %arg17[%get3A_267, %get3A_268] {strides = array<i32>} : memref<128x128xf32, #tpu.memory_space<vmem>>, vector<1x16xf32>,
        %get3A_270 = vector.shape_cast %get3A_269 : vector<1x16xf32> to vector<16xf32>
        %add3A_271 = arith.addf %get3A_266, %get3A_270 : vector<16xf32>
        %swap3A_272 = arith.index_cast %scan3A_166 : i32 to index
        %swap3A_273 = arith.constant 112 : index
        %swap3A_274 = tpu.vector_load %arg15[%swap3A_272, %swap3A_273] {strides = array<i32>} : memref<128x128xf32, #tpu.memory_space<vmem>>, vector<1x16xf32>,
        %swap3A_275 = vector.shape_cast %swap3A_274 : vector<1x16xf32> to vector<16xf32>
        %swap3A_276 = vector.shape_cast %add3A_271 : vector<16xf32> to vector<1x16xf32>
        tpu.vector_store %arg15[%swap3A_272, %swap3A_273], %swap3A_276 {strides = array<i32>} : memref<128x128xf32, #tpu.memory_space<vmem>>, vector<1x16xf32>,
      }
      %scan3A_113 = arith.constant 128 : i32
      %dma_start3A_114 = arith.constant 0 : i32
      %dma_start3A_115 = tpu.memref_slice %arg10[%add3A_107, %dma_start3A_114] : memref<40x128xi32, #tpu.memory_space<vmem>> -> memref<1x128xi32, #tpu.memory_space<vmem>>
      %dma_start3A_116 = tpu.memref_squeeze %dma_start3A_115 : memref<1x128xi32, #tpu.memory_space<vmem>> -> memref<128xi32, #tpu.memory_space<vmem>>
      %dma_start3A_117 = arith.constant 0 : i32
      %dma_start3A_118 = arith.constant 0 : i32
      %dma_start3A_119 = tpu.memref_slice %arg8[%dma_start3A_117, %dma_start3A_118] : memref<172032x128xf32, #tpu.memory_space<hbm>> -> memref<172032x128xf32, #tpu.memory_space<hbm>>
      tpu.enqueue_indirect_dma source(%arg13 : memref<128x128xf32, #tpu.memory_space<vmem>>) target(%dma_start3A_119 : memref<172032x128xf32, #tpu.memory_space<hbm>>) offsets(%dma_start3A_116 : memref<128xi32, #tpu.memory_space<vmem>>) semaphore(%arg21 : memref<!tpu.dma_semaphore, #tpu.memory_space<semaphore_mem>>)
      %dma_start3A_120 = arith.constant 0 : i32
      %dma_start3A_121 = tpu.memref_slice %arg10[%add3A_107, %dma_start3A_120] : memref<40x128xi32, #tpu.memory_space<vmem>> -> memref<1x128xi32, #tpu.memory_space<vmem>>
      %dma_start3A_122 = tpu.memref_squeeze %dma_start3A_121 : memref<1x128xi32, #tpu.memory_space<vmem>> -> memref<128xi32, #tpu.memory_space<vmem>>
      %dma_start3A_123 = arith.constant 0 : i32
      %dma_start3A_124 = arith.constant 0 : i32
      %dma_start3A_125 = tpu.memref_slice %arg9[%dma_start3A_123, %dma_start3A_124] : memref<172032x128xf32, #tpu.memory_space<hbm>> -> memref<172032x128xf32, #tpu.memory_space<hbm>>
      tpu.enqueue_indirect_dma source(%arg15 : memref<128x128xf32, #tpu.memory_space<vmem>>) target(%dma_start3A_125 : memref<172032x128xf32, #tpu.memory_space<hbm>>) offsets(%dma_start3A_122 : memref<128xi32, #tpu.memory_space<vmem>>) semaphore(%arg21 : memref<!tpu.dma_semaphore, #tpu.memory_space<semaphore_mem>>)
      %dma_wait3A_126 = arith.constant 0 : i32
      %dma_wait3A_127 = arith.constant 0 : i32
      %dma_wait3A_128 = tpu.memref_slice %arg2[%dma_wait3A_126, %dma_wait3A_127] : memref<163840x128xf32, #tpu.memory_space<hbm>> -> memref<128x128xf32, #tpu.memory_space<hbm>>
      %dma_wait3A_129 = arith.constant 0 : i32
      %dma_wait3A_130 = arith.constant 0 : i32
      %dma_wait3A_131 = tpu.memref_slice %arg2[%dma_wait3A_129, %dma_wait3A_130] : memref<163840x128xf32, #tpu.memory_space<hbm>> -> memref<128x128xf32, #tpu.memory_space<hbm>>
      tpu.wait_dma2 semaphore(%arg20 : memref<!tpu.dma_semaphore, #tpu.memory_space<semaphore_mem>>) src(%dma_wait3A_131 : memref<128x128xf32, #tpu.memory_space<hbm>>) dst(%arg14 : memref<128x128xf32, #tpu.memory_space<vmem>>)
      %dma_wait3A_132 = arith.constant 0 : i32
      %dma_wait3A_133 = arith.constant 0 : i32
      %dma_wait3A_134 = tpu.memref_slice %arg6[%dma_wait3A_132, %dma_wait3A_133] : memref<10240x128xf32, #tpu.memory_space<hbm>> -> memref<128x128xf32, #tpu.memory_space<hbm>>
      %dma_wait3A_135 = arith.constant 0 : i32
      %dma_wait3A_136 = arith.constant 0 : i32
      %dma_wait3A_137 = tpu.memref_slice %arg6[%dma_wait3A_135, %dma_wait3A_136] : memref<10240x128xf32, #tpu.memory_space<hbm>> -> memref<128x128xf32, #tpu.memory_space<hbm>>
      tpu.wait_dma2 semaphore(%arg20 : memref<!tpu.dma_semaphore, #tpu.memory_space<semaphore_mem>>) src(%dma_wait3A_137 : memref<128x128xf32, #tpu.memory_space<hbm>>) dst(%arg16 : memref<128x128xf32, #tpu.memory_space<vmem>>)
      %dma_wait3A_138 = arith.constant 0 : i32
      %dma_wait3A_139 = arith.constant 0 : i32
      %dma_wait3A_140 = tpu.memref_slice %arg7[%dma_wait3A_138, %dma_wait3A_139] : memref<10240x128xf32, #tpu.memory_space<hbm>> -> memref<128x128xf32, #tpu.memory_space<hbm>>
      %dma_wait3A_141 = arith.constant 0 : i32
      %dma_wait3A_142 = arith.constant 0 : i32
      %dma_wait3A_143 = tpu.memref_slice %arg7[%dma_wait3A_141, %dma_wait3A_142] : memref<10240x128xf32, #tpu.memory_space<hbm>> -> memref<128x128xf32, #tpu.memory_space<hbm>>
      tpu.wait_dma2 semaphore(%arg20 : memref<!tpu.dma_semaphore, #tpu.memory_space<semaphore_mem>>) src(%dma_wait3A_143 : memref<128x128xf32, #tpu.memory_space<hbm>>) dst(%arg18 : memref<128x128xf32, #tpu.memory_space<vmem>>)
      %mul3A_144 = arith.constant 2 : i32
      %mul3A_145 = arith.muli %mul3A_144, %scan3A_33 : i32
      %add3A_146 = arith.constant 1 : i32
      %add3A_147 = arith.addi %mul3A_145, %add3A_146 : i32
      %scan3A_148 = arith.constant 0 : i32
      %scan3A_149 = arith.constant 0 : i32
      %scan3A_150 = arith.constant 128 : i32
      %scan3A_151 = arith.addi %scan3A_149, %scan3A_150 : i32
      %scan3A_152 = arith.constant 1 : i32
      scf.for %scan3A_166 = %scan3A_149 to %scan3A_151 step %scan3A_152  : i32 {
        %get3A = arith.index_cast %scan3A_166 : i32 to index
        %get3A_167 = arith.constant 0 : index
        %get3A_168 = tpu.vector_load %arg16[%get3A, %get3A_167] {strides = array<i32>} : memref<128x128xf32, #tpu.memory_space<vmem>>, vector<1x16xf32>,
        %get3A_169 = vector.shape_cast %get3A_168 : vector<1x16xf32> to vector<16xf32>
        %get3A_170 = arith.index_cast %scan3A_166 : i32 to index
        %get3A_171 = arith.constant 0 : index
        %get3A_172 = tpu.vector_load %arg18[%get3A_170, %get3A_171] {strides = array<i32>} : memref<128x128xf32, #tpu.memory_space<vmem>>, vector<1x16xf32>,
        %get3A_173 = vector.shape_cast %get3A_172 : vector<1x16xf32> to vector<16xf32>
        %add3A_174 = arith.addf %get3A_169, %get3A_173 : vector<16xf32>
        %swap3A = arith.index_cast %scan3A_166 : i32 to index
        %swap3A_175 = arith.constant 0 : index
        %swap3A_176 = tpu.vector_load %arg16[%swap3A, %swap3A_175] {strides = array<i32>} : memref<128x128xf32, #tpu.memory_space<vmem>>, vector<1x16xf32>,
        %swap3A_177 = vector.shape_cast %swap3A_176 : vector<1x16xf32> to vector<16xf32>
        %swap3A_178 = vector.shape_cast %add3A_174 : vector<16xf32> to vector<1x16xf32>
        tpu.vector_store %arg16[%swap3A, %swap3A_175], %swap3A_178 {strides = array<i32>} : memref<128x128xf32, #tpu.memory_space<vmem>>, vector<1x16xf32>,
        %get3A_179 = arith.index_cast %scan3A_166 : i32 to index
        %get3A_180 = arith.constant 16 : index
        %get3A_181 = tpu.vector_load %arg16[%get3A_179, %get3A_180] {strides = array<i32>} : memref<128x128xf32, #tpu.memory_space<vmem>>, vector<1x16xf32>,
        %get3A_182 = vector.shape_cast %get3A_181 : vector<1x16xf32> to vector<16xf32>
        %get3A_183 = arith.index_cast %scan3A_166 : i32 to index
        %get3A_184 = arith.constant 16 : index
        %get3A_185 = tpu.vector_load %arg18[%get3A_183, %get3A_184] {strides = array<i32>} : memref<128x128xf32, #tpu.memory_space<vmem>>, vector<1x16xf32>,
        %get3A_186 = vector.shape_cast %get3A_185 : vector<1x16xf32> to vector<16xf32>
        %add3A_187 = arith.addf %get3A_182, %get3A_186 : vector<16xf32>
        %swap3A_188 = arith.index_cast %scan3A_166 : i32 to index
        %swap3A_189 = arith.constant 16 : index
        %swap3A_190 = tpu.vector_load %arg16[%swap3A_188, %swap3A_189] {strides = array<i32>} : memref<128x128xf32, #tpu.memory_space<vmem>>, vector<1x16xf32>,
        %swap3A_191 = vector.shape_cast %swap3A_190 : vector<1x16xf32> to vector<16xf32>
        %swap3A_192 = vector.shape_cast %add3A_187 : vector<16xf32> to vector<1x16xf32>
        tpu.vector_store %arg16[%swap3A_188, %swap3A_189], %swap3A_192 {strides = array<i32>} : memref<128x128xf32, #tpu.memory_space<vmem>>, vector<1x16xf32>,
        %get3A_193 = arith.index_cast %scan3A_166 : i32 to index
        %get3A_194 = arith.constant 32 : index
        %get3A_195 = tpu.vector_load %arg16[%get3A_193, %get3A_194] {strides = array<i32>} : memref<128x128xf32, #tpu.memory_space<vmem>>, vector<1x16xf32>,
        %get3A_196 = vector.shape_cast %get3A_195 : vector<1x16xf32> to vector<16xf32>
        %get3A_197 = arith.index_cast %scan3A_166 : i32 to index
        %get3A_198 = arith.constant 32 : index
        %get3A_199 = tpu.vector_load %arg18[%get3A_197, %get3A_198] {strides = array<i32>} : memref<128x128xf32, #tpu.memory_space<vmem>>, vector<1x16xf32>,
        %get3A_200 = vector.shape_cast %get3A_199 : vector<1x16xf32> to vector<16xf32>
        %add3A_201 = arith.addf %get3A_196, %get3A_200 : vector<16xf32>
        %swap3A_202 = arith.index_cast %scan3A_166 : i32 to index
        %swap3A_203 = arith.constant 32 : index
        %swap3A_204 = tpu.vector_load %arg16[%swap3A_202, %swap3A_203] {strides = array<i32>} : memref<128x128xf32, #tpu.memory_space<vmem>>, vector<1x16xf32>,
        %swap3A_205 = vector.shape_cast %swap3A_204 : vector<1x16xf32> to vector<16xf32>
        %swap3A_206 = vector.shape_cast %add3A_201 : vector<16xf32> to vector<1x16xf32>
        tpu.vector_store %arg16[%swap3A_202, %swap3A_203], %swap3A_206 {strides = array<i32>} : memref<128x128xf32, #tpu.memory_space<vmem>>, vector<1x16xf32>,
        %get3A_207 = arith.index_cast %scan3A_166 : i32 to index
        %get3A_208 = arith.constant 48 : index
        %get3A_209 = tpu.vector_load %arg16[%get3A_207, %get3A_208] {strides = array<i32>} : memref<128x128xf32, #tpu.memory_space<vmem>>, vector<1x16xf32>,
        %get3A_210 = vector.shape_cast %get3A_209 : vector<1x16xf32> to vector<16xf32>
        %get3A_211 = arith.index_cast %scan3A_166 : i32 to index
        %get3A_212 = arith.constant 48 : index
        %get3A_213 = tpu.vector_load %arg18[%get3A_211, %get3A_212] {strides = array<i32>} : memref<128x128xf32, #tpu.memory_space<vmem>>, vector<1x16xf32>,
        %get3A_214 = vector.shape_cast %get3A_213 : vector<1x16xf32> to vector<16xf32>
        %add3A_215 = arith.addf %get3A_210, %get3A_214 : vector<16xf32>
        %swap3A_216 = arith.index_cast %scan3A_166 : i32 to index
        %swap3A_217 = arith.constant 48 : index
        %swap3A_218 = tpu.vector_load %arg16[%swap3A_216, %swap3A_217] {strides = array<i32>} : memref<128x128xf32, #tpu.memory_space<vmem>>, vector<1x16xf32>,
        %swap3A_219 = vector.shape_cast %swap3A_218 : vector<1x16xf32> to vector<16xf32>
        %swap3A_220 = vector.shape_cast %add3A_215 : vector<16xf32> to vector<1x16xf32>
        tpu.vector_store %arg16[%swap3A_216, %swap3A_217], %swap3A_220 {strides = array<i32>} : memref<128x128xf32, #tpu.memory_space<vmem>>, vector<1x16xf32>,
        %get3A_221 = arith.index_cast %scan3A_166 : i32 to index
        %get3A_222 = arith.constant 64 : index
        %get3A_223 = tpu.vector_load %arg16[%get3A_221, %get3A_222] {strides = array<i32>} : memref<128x128xf32, #tpu.memory_space<vmem>>, vector<1x16xf32>,
        %get3A_224 = vector.shape_cast %get3A_223 : vector<1x16xf32> to vector<16xf32>
        %get3A_225 = arith.index_cast %scan3A_166 : i32 to index
        %get3A_226 = arith.constant 64 : index
        %get3A_227 = tpu.vector_load %arg18[%get3A_225, %get3A_226] {strides = array<i32>} : memref<128x128xf32, #tpu.memory_space<vmem>>, vector<1x16xf32>,
        %get3A_228 = vector.shape_cast %get3A_227 : vector<1x16xf32> to vector<16xf32>
        %add3A_229 = arith.addf %get3A_224, %get3A_228 : vector<16xf32>
        %swap3A_230 = arith.index_cast %scan3A_166 : i32 to index
        %swap3A_231 = arith.constant 64 : index
        %swap3A_232 = tpu.vector_load %arg16[%swap3A_230, %swap3A_231] {strides = array<i32>} : memref<128x128xf32, #tpu.memory_space<vmem>>, vector<1x16xf32>,
        %swap3A_233 = vector.shape_cast %swap3A_232 : vector<1x16xf32> to vector<16xf32>
        %swap3A_234 = vector.shape_cast %add3A_229 : vector<16xf32> to vector<1x16xf32>
        tpu.vector_store %arg16[%swap3A_230, %swap3A_231], %swap3A_234 {strides = array<i32>} : memref<128x128xf32, #tpu.memory_space<vmem>>, vector<1x16xf32>,
        %get3A_235 = arith.index_cast %scan3A_166 : i32 to index
        %get3A_236 = arith.constant 80 : index
        %get3A_237 = tpu.vector_load %arg16[%get3A_235, %get3A_236] {strides = array<i32>} : memref<128x128xf32, #tpu.memory_space<vmem>>, vector<1x16xf32>,
        %get3A_238 = vector.shape_cast %get3A_237 : vector<1x16xf32> to vector<16xf32>
        %get3A_239 = arith.index_cast %scan3A_166 : i32 to index
        %get3A_240 = arith.constant 80 : index
        %get3A_241 = tpu.vector_load %arg18[%get3A_239, %get3A_240] {strides = array<i32>} : memref<128x128xf32, #tpu.memory_space<vmem>>, vector<1x16xf32>,
        %get3A_242 = vector.shape_cast %get3A_241 : vector<1x16xf32> to vector<16xf32>
        %add3A_243 = arith.addf %get3A_238, %get3A_242 : vector<16xf32>
        %swap3A_244 = arith.index_cast %scan3A_166 : i32 to index
        %swap3A_245 = arith.constant 80 : index
        %swap3A_246 = tpu.vector_load %arg16[%swap3A_244, %swap3A_245] {strides = array<i32>} : memref<128x128xf32, #tpu.memory_space<vmem>>, vector<1x16xf32>,
        %swap3A_247 = vector.shape_cast %swap3A_246 : vector<1x16xf32> to vector<16xf32>
        %swap3A_248 = vector.shape_cast %add3A_243 : vector<16xf32> to vector<1x16xf32>
        tpu.vector_store %arg16[%swap3A_244, %swap3A_245], %swap3A_248 {strides = array<i32>} : memref<128x128xf32, #tpu.memory_space<vmem>>, vector<1x16xf32>,
        %get3A_249 = arith.index_cast %scan3A_166 : i32 to index
        %get3A_250 = arith.constant 96 : index
        %get3A_251 = tpu.vector_load %arg16[%get3A_249, %get3A_250] {strides = array<i32>} : memref<128x128xf32, #tpu.memory_space<vmem>>, vector<1x16xf32>,
        %get3A_252 = vector.shape_cast %get3A_251 : vector<1x16xf32> to vector<16xf32>
        %get3A_253 = arith.index_cast %scan3A_166 : i32 to index
        %get3A_254 = arith.constant 96 : index
        %get3A_255 = tpu.vector_load %arg18[%get3A_253, %get3A_254] {strides = array<i32>} : memref<128x128xf32, #tpu.memory_space<vmem>>, vector<1x16xf32>,
        %get3A_256 = vector.shape_cast %get3A_255 : vector<1x16xf32> to vector<16xf32>
        %add3A_257 = arith.addf %get3A_252, %get3A_256 : vector<16xf32>
        %swap3A_258 = arith.index_cast %scan3A_166 : i32 to index
        %swap3A_259 = arith.constant 96 : index
        %swap3A_260 = tpu.vector_load %arg16[%swap3A_258, %swap3A_259] {strides = array<i32>} : memref<128x128xf32, #tpu.memory_space<vmem>>, vector<1x16xf32>,
        %swap3A_261 = vector.shape_cast %swap3A_260 : vector<1x16xf32> to vector<16xf32>
        %swap3A_262 = vector.shape_cast %add3A_257 : vector<16xf32> to vector<1x16xf32>
        tpu.vector_store %arg16[%swap3A_258, %swap3A_259], %swap3A_262 {strides = array<i32>} : memref<128x128xf32, #tpu.memory_space<vmem>>, vector<1x16xf32>,
        %get3A_263 = arith.index_cast %scan3A_166 : i32 to index
        %get3A_264 = arith.constant 112 : index
        %get3A_265 = tpu.vector_load %arg16[%get3A_263, %get3A_264] {strides = array<i32>} : memref<128x128xf32, #tpu.memory_space<vmem>>, vector<1x16xf32>,
        %get3A_266 = vector.shape_cast %get3A_265 : vector<1x16xf32> to vector<16xf32>
        %get3A_267 = arith.index_cast %scan3A_166 : i32 to index
        %get3A_268 = arith.constant 112 : index
        %get3A_269 = tpu.vector_load %arg18[%get3A_267, %get3A_268] {strides = array<i32>} : memref<128x128xf32, #tpu.memory_space<vmem>>, vector<1x16xf32>,
        %get3A_270 = vector.shape_cast %get3A_269 : vector<1x16xf32> to vector<16xf32>
        %add3A_271 = arith.addf %get3A_266, %get3A_270 : vector<16xf32>
        %swap3A_272 = arith.index_cast %scan3A_166 : i32 to index
        %swap3A_273 = arith.constant 112 : index
        %swap3A_274 = tpu.vector_load %arg16[%swap3A_272, %swap3A_273] {strides = array<i32>} : memref<128x128xf32, #tpu.memory_space<vmem>>, vector<1x16xf32>,
        %swap3A_275 = vector.shape_cast %swap3A_274 : vector<1x16xf32> to vector<16xf32>
        %swap3A_276 = vector.shape_cast %add3A_271 : vector<16xf32> to vector<1x16xf32>
        tpu.vector_store %arg16[%swap3A_272, %swap3A_273], %swap3A_276 {strides = array<i32>} : memref<128x128xf32, #tpu.memory_space<vmem>>, vector<1x16xf32>,
      }
      %scan3A_153 = arith.constant 128 : i32
      %dma_start3A_154 = arith.constant 0 : i32
      %dma_start3A_155 = tpu.memref_slice %arg10[%add3A_147, %dma_start3A_154] : memref<40x128xi32, #tpu.memory_space<vmem>> -> memref<1x128xi32, #tpu.memory_space<vmem>>
      %dma_start3A_156 = tpu.memref_squeeze %dma_start3A_155 : memref<1x128xi32, #tpu.memory_space<vmem>> -> memref<128xi32, #tpu.memory_space<vmem>>
      %dma_start3A_157 = arith.constant 0 : i32
      %dma_start3A_158 = arith.constant 0 : i32
      %dma_start3A_159 = tpu.memref_slice %arg8[%dma_start3A_157, %dma_start3A_158] : memref<172032x128xf32, #tpu.memory_space<hbm>> -> memref<172032x128xf32, #tpu.memory_space<hbm>>
      tpu.enqueue_indirect_dma source(%arg14 : memref<128x128xf32, #tpu.memory_space<vmem>>) target(%dma_start3A_159 : memref<172032x128xf32, #tpu.memory_space<hbm>>) offsets(%dma_start3A_156 : memref<128xi32, #tpu.memory_space<vmem>>) semaphore(%arg22 : memref<!tpu.dma_semaphore, #tpu.memory_space<semaphore_mem>>)
      %dma_start3A_160 = arith.constant 0 : i32
      %dma_start3A_161 = tpu.memref_slice %arg10[%add3A_147, %dma_start3A_160] : memref<40x128xi32, #tpu.memory_space<vmem>> -> memref<1x128xi32, #tpu.memory_space<vmem>>
      %dma_start3A_162 = tpu.memref_squeeze %dma_start3A_161 : memref<1x128xi32, #tpu.memory_space<vmem>> -> memref<128xi32, #tpu.memory_space<vmem>>
      %dma_start3A_163 = arith.constant 0 : i32
      %dma_start3A_164 = arith.constant 0 : i32
      %dma_start3A_165 = tpu.memref_slice %arg9[%dma_start3A_163, %dma_start3A_164] : memref<172032x128xf32, #tpu.memory_space<hbm>> -> memref<172032x128xf32, #tpu.memory_space<hbm>>
      tpu.enqueue_indirect_dma source(%arg16 : memref<128x128xf32, #tpu.memory_space<vmem>>) target(%dma_start3A_165 : memref<172032x128xf32, #tpu.memory_space<hbm>>) offsets(%dma_start3A_162 : memref<128xi32, #tpu.memory_space<vmem>>) semaphore(%arg22 : memref<!tpu.dma_semaphore, #tpu.memory_space<semaphore_mem>>)
    }
    %scan3A_9 = arith.constant 20 : i32
    %dma_wait3A = arith.constant 0 : i32
    %dma_wait3A_10 = arith.constant 0 : i32
    %dma_wait3A_11 = tpu.memref_slice %arg2[%dma_wait3A, %dma_wait3A_10] : memref<163840x128xf32, #tpu.memory_space<hbm>> -> memref<128x128xf32, #tpu.memory_space<hbm>>
    %dma_wait3A_12 = arith.constant 0 : i32
    %dma_wait3A_13 = arith.constant 0 : i32
    %dma_wait3A_14 = tpu.memref_slice %arg2[%dma_wait3A_12, %dma_wait3A_13] : memref<163840x128xf32, #tpu.memory_space<hbm>> -> memref<128x128xf32, #tpu.memory_space<hbm>>
    tpu.wait_dma2 semaphore(%arg21 : memref<!tpu.dma_semaphore, #tpu.memory_space<semaphore_mem>>) src(%dma_wait3A_14 : memref<128x128xf32, #tpu.memory_space<hbm>>) dst(%arg13 : memref<128x128xf32, #tpu.memory_space<vmem>>)
    %dma_wait3A_15 = arith.constant 0 : i32
    %dma_wait3A_16 = arith.constant 0 : i32
    %dma_wait3A_17 = tpu.memref_slice %arg6[%dma_wait3A_15, %dma_wait3A_16] : memref<10240x128xf32, #tpu.memory_space<hbm>> -> memref<128x128xf32, #tpu.memory_space<hbm>>
    %dma_wait3A_18 = arith.constant 0 : i32
    %dma_wait3A_19 = arith.constant 0 : i32
    %dma_wait3A_20 = tpu.memref_slice %arg6[%dma_wait3A_18, %dma_wait3A_19] : memref<10240x128xf32, #tpu.memory_space<hbm>> -> memref<128x128xf32, #tpu.memory_space<hbm>>
    tpu.wait_dma2 semaphore(%arg21 : memref<!tpu.dma_semaphore, #tpu.memory_space<semaphore_mem>>) src(%dma_wait3A_20 : memref<128x128xf32, #tpu.memory_space<hbm>>) dst(%arg15 : memref<128x128xf32, #tpu.memory_space<vmem>>)
    %dma_wait3A_21 = arith.constant 0 : i32
    %dma_wait3A_22 = arith.constant 0 : i32
    %dma_wait3A_23 = tpu.memref_slice %arg2[%dma_wait3A_21, %dma_wait3A_22] : memref<163840x128xf32, #tpu.memory_space<hbm>> -> memref<128x128xf32, #tpu.memory_space<hbm>>
    %dma_wait3A_24 = arith.constant 0 : i32
    %dma_wait3A_25 = arith.constant 0 : i32
    %dma_wait3A_26 = tpu.memref_slice %arg2[%dma_wait3A_24, %dma_wait3A_25] : memref<163840x128xf32, #tpu.memory_space<hbm>> -> memref<128x128xf32, #tpu.memory_space<hbm>>
    tpu.wait_dma2 semaphore(%arg22 : memref<!tpu.dma_semaphore, #tpu.memory_space<semaphore_mem>>) src(%dma_wait3A_26 : memref<128x128xf32, #tpu.memory_space<hbm>>) dst(%arg14 : memref<128x128xf32, #tpu.memory_space<vmem>>)
    %dma_wait3A_27 = arith.constant 0 : i32
    %dma_wait3A_28 = arith.constant 0 : i32
    %dma_wait3A_29 = tpu.memref_slice %arg6[%dma_wait3A_27, %dma_wait3A_28] : memref<10240x128xf32, #tpu.memory_space<hbm>> -> memref<128x128xf32, #tpu.memory_space<hbm>>
    %dma_wait3A_30 = arith.constant 0 : i32
    %dma_wait3A_31 = arith.constant 0 : i32
    %dma_wait3A_32 = tpu.memref_slice %arg6[%dma_wait3A_30, %dma_wait3A_31] : memref<10240x128xf32, #tpu.memory_space<hbm>> -> memref<128x128xf32, #tpu.memory_space<hbm>>
    tpu.wait_dma2 semaphore(%arg22 : memref<!tpu.dma_semaphore, #tpu.memory_space<semaphore_mem>>) src(%dma_wait3A_32 : memref<128x128xf32, #tpu.memory_space<hbm>>) dst(%arg16 : memref<128x128xf32, #tpu.memory_space<vmem>>)
    return
  }
}

module attributes {stable_mosaic.version = 14 : i64} {
  func.func @_node_kernel(%arg0: i32, %arg1: memref<1x1x512xf32, #tpu.memory_space<vmem>>, %arg2: memref<128x128xf32, #tpu.memory_space<vmem>>, %arg3: memref<128x128xf32, #tpu.memory_space<vmem>>, %arg4: memref<128x128xf32, #tpu.memory_space<vmem>>, %arg5: memref<512x128xf32, #tpu.memory_space<vmem>>, %arg6: memref<512x128xf32, #tpu.memory_space<vmem>>) attributes {dimension_semantics = [#tpu.dimension_semantics<arbitrary>], iteration_bounds = array<i64: 20>, scalar_prefetch = 0 : i64, scratch_operands = 0 : i64, tpu.core_type = #tpu.core_type<tc>, window_params = [{transform_indices = @transform_0, window_bounds = array<i64: 1, 1, 512>}, {pipeline_mode = #tpu.pipeline_mode<synchronous>, transform_indices = @transform_1, window_bounds = array<i64: 128, 128>}, {pipeline_mode = #tpu.pipeline_mode<synchronous>, transform_indices = @transform_2, window_bounds = array<i64: 128, 128>}, {pipeline_mode = #tpu.pipeline_mode<synchronous>, transform_indices = @transform_3, window_bounds = array<i64: 128, 128>}, {transform_indices = @transform_4, window_bounds = array<i64: 512, 128>}, {transform_indices = @transform_5, window_bounds = array<i64: 512, 128>}]} {
    %get3A = arith.constant 0 : index
    %get3A_0 = arith.constant 0 : index
    %get3A_1 = arith.constant 0 : index
    %get3A_2 = vector.load %arg1[%get3A, %get3A_0, %get3A_1] : memref<1x1x512xf32, #tpu.memory_space<vmem>>, vector<1x1x512xf32>
    %get3A_3 = vector.shape_cast %get3A_2 : vector<1x1x512xf32> to vector<1x512xf32>
    %iota3A = tpu.iota {dimensions = array<i32: 0>} : vector<128x512xi32>
    %convert_element_type3A = arith.sitofp %iota3A : vector<128x512xi32> to vector<128x512xf32>
    %eq3A = vector.broadcast %get3A_3 : vector<1x512xf32> to vector<128x512xf32>
    %eq3A_4 = arith.cmpf oeq, %convert_element_type3A, %eq3A : vector<128x512xf32>
    %convert_element_type3A_5 = arith.extui %eq3A_4 : vector<128x512xi1> to vector<128x512xi32>
    %convert_element_type3A_6 = arith.sitofp %convert_element_type3A_5 : vector<128x512xi32> to vector<128x512xf32>
    %get3A_7 = arith.constant 0 : index
    %get3A_8 = arith.constant 0 : index
    %get3A_9 = vector.load %arg2[%get3A_7, %get3A_8] : memref<128x128xf32, #tpu.memory_space<vmem>>, vector<128x128xf32>
    %dot_general3A = arith.constant dense<0.000000e+00> : vector<512x128xf32>
    %dot_general3A_10 = tpu.matmul %convert_element_type3A_6, %get3A_9, %dot_general3A {dimension_numbers = #tpu.dot_dimension_numbers<[0], [0], [1], [1], [0, 1, 1, 1], [], []>, transpose_lhs_hint = false} : vector<128x512xf32>, vector<128x128xf32>, vector<512x128xf32> -> vector<512x128xf32>
    %get3A_11 = arith.constant 0 : index
    %get3A_12 = arith.constant 0 : index
    %get3A_13 = vector.load %arg3[%get3A_11, %get3A_12] : memref<128x128xf32, #tpu.memory_space<vmem>>, vector<128x128xf32>
    %dot_general3A_14 = arith.constant dense<0.000000e+00> : vector<512x128xf32>
    %dot_general3A_15 = tpu.matmul %dot_general3A_10, %get3A_13, %dot_general3A_14 {dimension_numbers = #tpu.dot_dimension_numbers<[1], [0], [0], [1], [0, 0, 1, 1], [], []>, transpose_lhs_hint = false} : vector<512x128xf32>, vector<128x128xf32>, vector<512x128xf32> -> vector<512x128xf32>
    %swap3A = arith.constant 0 : index
    %swap3A_16 = arith.constant 0 : index
    %swap3A_17 = vector.load %arg5[%swap3A, %swap3A_16] : memref<512x128xf32, #tpu.memory_space<vmem>>, vector<512x128xf32>
    tpu.vector_store %arg5[%swap3A, %swap3A_16], %dot_general3A_15 {strides = array<i32>} : memref<512x128xf32, #tpu.memory_space<vmem>>, vector<512x128xf32>,
    %get3A_18 = arith.constant 0 : index
    %get3A_19 = arith.constant 0 : index
    %get3A_20 = vector.load %arg4[%get3A_18, %get3A_19] : memref<128x128xf32, #tpu.memory_space<vmem>>, vector<128x128xf32>
    %dot_general3A_21 = arith.constant dense<0.000000e+00> : vector<512x128xf32>
    %dot_general3A_22 = tpu.matmul %dot_general3A_10, %get3A_20, %dot_general3A_21 {dimension_numbers = #tpu.dot_dimension_numbers<[1], [0], [0], [1], [0, 0, 1, 1], [], []>, transpose_lhs_hint = false} : vector<512x128xf32>, vector<128x128xf32>, vector<512x128xf32> -> vector<512x128xf32>
    %swap3A_23 = arith.constant 0 : index
    %swap3A_24 = arith.constant 0 : index
    %swap3A_25 = vector.load %arg6[%swap3A_23, %swap3A_24] : memref<512x128xf32, #tpu.memory_space<vmem>>, vector<512x128xf32>
    tpu.vector_store %arg6[%swap3A_23, %swap3A_24], %dot_general3A_22 {strides = array<i32>} : memref<512x128xf32, #tpu.memory_space<vmem>>, vector<512x128xf32>,
    return
  }
  func.func @transform_0(%arg0: i32) -> (i32, i32, i32) {
    %c0_i32 = arith.constant 0 : i32
    %c0_i32_0 = arith.constant 0 : i32
    %c0_i32_1 = arith.constant 0 : i32
    return %arg0, %c0_i32, %c0_i32_0 : i32, i32, i32
  }
  func.func @transform_1(%arg0: i32) -> (i32, i32) {
    %c0_i32 = arith.constant 0 : i32
    %c0_i32_0 = arith.constant 0 : i32
    %c0_i32_1 = arith.constant 0 : i32
    return %c0_i32, %c0_i32_0 : i32, i32
  }
  func.func @transform_2(%arg0: i32) -> (i32, i32) {
    %c0_i32 = arith.constant 0 : i32
    %c0_i32_0 = arith.constant 0 : i32
    %c0_i32_1 = arith.constant 0 : i32
    return %c0_i32, %c0_i32_0 : i32, i32
  }
  func.func @transform_3(%arg0: i32) -> (i32, i32) {
    %c0_i32 = arith.constant 0 : i32
    %c0_i32_0 = arith.constant 0 : i32
    %c0_i32_1 = arith.constant 0 : i32
    return %c0_i32, %c0_i32_0 : i32, i32
  }
  func.func @transform_4(%arg0: i32) -> (i32, i32) {
    %c0_i32 = arith.constant 0 : i32
    %c0_i32_0 = arith.constant 0 : i32
    return %arg0, %c0_i32 : i32, i32
  }
  func.func @transform_5(%arg0: i32) -> (i32, i32) {
    %c0_i32 = arith.constant 0 : i32
    %c0_i32_0 = arith.constant 0 : i32
    return %arg0, %c0_i32 : i32, i32
  }
}

module attributes {stable_mosaic.version = 14 : i64} {
  func.func @_edge_kernel(%arg0: i32, %arg1: memref<672xi32, #tpu.memory_space<smem>>, %arg2: memref<672xi32, #tpu.memory_space<smem>>, %arg3: memref<672xi32, #tpu.memory_space<smem>>, %arg4: memref<1x256x128xf32, #tpu.memory_space<vmem>>, %arg5: memref<1x256x128xf32, #tpu.memory_space<vmem>>, %arg6: memref<32x128xf32, #tpu.memory_space<vmem>>, %arg7: memref<32x128xf32, #tpu.memory_space<vmem>>, %arg8: memref<32x128xf32, #tpu.memory_space<vmem>>, %arg9: memref<3x128xf32, #tpu.memory_space<vmem>>, %arg10: memref<1x128xf32, #tpu.memory_space<vmem>>, %arg11: memref<256x1152xf32, #tpu.memory_space<vmem>>) attributes {dimension_semantics = [#tpu.dimension_semantics<arbitrary>], iteration_bounds = array<i64: 672>, scalar_prefetch = 3 : i64, scratch_operands = 0 : i64, tpu.core_type = #tpu.core_type<tc>, window_params = [{transform_indices = @transform_0, window_bounds = array<i64: 1, 256, 128>}, {transform_indices = @transform_1, window_bounds = array<i64: 1, 256, 128>}, {pipeline_mode = #tpu.pipeline_mode<synchronous>, transform_indices = @transform_2, window_bounds = array<i64: 32, 128>}, {pipeline_mode = #tpu.pipeline_mode<synchronous>, transform_indices = @transform_3, window_bounds = array<i64: 32, 128>}, {pipeline_mode = #tpu.pipeline_mode<synchronous>, transform_indices = @transform_4, window_bounds = array<i64: 32, 128>}, {pipeline_mode = #tpu.pipeline_mode<synchronous>, transform_indices = @transform_5, window_bounds = array<i64: 3, 128>}, {pipeline_mode = #tpu.pipeline_mode<synchronous>, transform_indices = @transform_6, window_bounds = array<i64: 1, 128>}, {transform_indices = @transform_7, window_bounds = array<i64: 256, 1152>}]} {
    %get3A = arith.constant 0 : index
    %get3A_0 = arith.constant 0 : index
    %get3A_1 = arith.constant 0 : index
    %get3A_2 = vector.load %arg4[%get3A, %get3A_0, %get3A_1] : memref<1x256x128xf32, #tpu.memory_space<vmem>>, vector<1x256x128xf32>
    %get3A_3 = vector.shape_cast %get3A_2 : vector<1x256x128xf32> to vector<256x128xf32>
    %slice3A = vector.extract_strided_slice %get3A_3 {offsets = [0, 0], sizes = [256, 32], strides = [1, 1]} : vector<256x128xf32> to vector<256x32xf32>
    %slice3A_4 = vector.extract_strided_slice %get3A_3 {offsets = [0, 32], sizes = [256, 1], strides = [1, 1]} : vector<256x128xf32> to vector<256x1xf32>
    %slice3A_5 = vector.extract_strided_slice %get3A_3 {offsets = [0, 33], sizes = [256, 1], strides = [1, 1]} : vector<256x128xf32> to vector<256x1xf32>
    %slice3A_6 = vector.extract_strided_slice %get3A_3 {offsets = [0, 34], sizes = [256, 1], strides = [1, 1]} : vector<256x128xf32> to vector<256x1xf32>
    %slice3A_7 = vector.extract_strided_slice %get3A_3 {offsets = [0, 35], sizes = [256, 1], strides = [1, 1]} : vector<256x128xf32> to vector<256x1xf32>
    %slice3A_8 = vector.extract_strided_slice %get3A_3 {offsets = [0, 36], sizes = [256, 1], strides = [1, 1]} : vector<256x128xf32> to vector<256x1xf32>
    %get3A_9 = arith.constant 0 : index
    %get3A_10 = arith.constant 0 : index
    %get3A_11 = arith.constant 0 : index
    %get3A_12 = vector.load %arg5[%get3A_9, %get3A_10, %get3A_11] : memref<1x256x128xf32, #tpu.memory_space<vmem>>, vector<1x256x128xf32>
    %get3A_13 = vector.shape_cast %get3A_12 : vector<1x256x128xf32> to vector<256x128xf32>
    %get3A_14 = arith.constant 0 : index
    %get3A_15 = arith.constant 0 : index
    %get3A_16 = vector.load %arg10[%get3A_14, %get3A_15] : memref<1x128xf32, #tpu.memory_space<vmem>>, vector<1x128xf32>
    %get3A_17 = vector.shape_cast %get3A_16 : vector<1x128xf32> to vector<128xf32>
    %broadcast_in_dim3A = vector.shape_cast %get3A_17 : vector<128xf32> to vector<1x128xf32>
    %add3A = vector.broadcast %broadcast_in_dim3A : vector<1x128xf32> to vector<256x128xf32>
    %add3A_18 = arith.addf %get3A_13, %add3A : vector<256x128xf32>
    %mul3A = arith.constant 0.628318548 : f32
    %mul3A_19 = vector.broadcast %mul3A : f32 to vector<256x1xf32>
    %mul3A_20 = arith.mulf %slice3A_7, %mul3A_19 : vector<256x1xf32>
    %cos3A = math.cos %mul3A_20 : vector<256x1xf32>
    %add3A_21 = arith.constant 1.000000e+00 : f32
    %add3A_22 = vector.broadcast %add3A_21 : f32 to vector<256x1xf32>
    %add3A_23 = arith.addf %cos3A, %add3A_22 : vector<256x1xf32>
    %mul3A_24 = arith.constant 5.000000e-01 : f32
    %mul3A_25 = vector.broadcast %mul3A_24 : f32 to vector<256x1xf32>
    %mul3A_26 = arith.mulf %mul3A_25, %add3A_23 : vector<256x1xf32>
    %lt3A = arith.constant 5.000000e+00 : f32
    %lt3A_27 = vector.broadcast %lt3A : f32 to vector<256x1xf32>
    %lt3A_28 = arith.cmpf olt, %slice3A_7, %lt3A_27 : vector<256x1xf32>
    %convert_element_type3A = arith.extui %lt3A_28 : vector<256x1xi1> to vector<256x1xi32>
    %convert_element_type3A_29 = arith.sitofp %convert_element_type3A : vector<256x1xi32> to vector<256x1xf32>
    %mul3A_30 = arith.mulf %mul3A_26, %convert_element_type3A_29 : vector<256x1xf32>
    %mul3A_31 = vector.broadcast %mul3A_30 : vector<256x1xf32> to vector<256x128xf32>
    %mul3A_32 = arith.mulf %mul3A_31, %add3A_18 : vector<256x128xf32>
    %get3A_33 = arith.constant 0 : index
    %get3A_34 = arith.constant 0 : index
    %get3A_35 = vector.load %arg6[%get3A_33, %get3A_34] : memref<32x128xf32, #tpu.memory_space<vmem>>, vector<32x128xf32>
    %dot_general3A = arith.constant dense<0.000000e+00> : vector<256x128xf32>
    %dot_general3A_36 = tpu.matmul %slice3A, %get3A_35, %dot_general3A {dimension_numbers = #tpu.dot_dimension_numbers<[1], [0], [0], [1], [0, 0, 1, 1], [], []>, transpose_lhs_hint = false} : vector<256x32xf32>, vector<32x128xf32>, vector<256x128xf32> -> vector<256x128xf32>
    %get3A_37 = arith.constant 0 : index
    %get3A_38 = arith.constant 0 : index
    %get3A_39 = vector.load %arg9[%get3A_37, %get3A_38] : memref<3x128xf32, #tpu.memory_space<vmem>>, vector<1x1xf32>
    %get3A_40 = vector.shape_cast %get3A_39 : vector<1x1xf32> to vector<1xf32>
    %broadcast_in_dim3A_41 = vector.shape_cast %get3A_40 : vector<1xf32> to vector<1x1xf32>
    %add3A_42 = vector.broadcast %broadcast_in_dim3A_41 : vector<1x1xf32> to vector<256x128xf32>
    %add3A_43 = arith.addf %dot_general3A_36, %add3A_42 : vector<256x128xf32>
    %get3A_44 = arith.constant 0 : index
    %get3A_45 = arith.constant 0 : index
    %get3A_46 = vector.load %arg7[%get3A_44, %get3A_45] : memref<32x128xf32, #tpu.memory_space<vmem>>, vector<32x128xf32>
    %dot_general3A_47 = arith.constant dense<0.000000e+00> : vector<256x128xf32>
    %dot_general3A_48 = tpu.matmul %slice3A, %get3A_46, %dot_general3A_47 {dimension_numbers = #tpu.dot_dimension_numbers<[1], [0], [0], [1], [0, 0, 1, 1], [], []>, transpose_lhs_hint = false} : vector<256x32xf32>, vector<32x128xf32>, vector<256x128xf32> -> vector<256x128xf32>
    %get3A_49 = arith.constant 1 : index
    %get3A_50 = arith.constant 0 : index
    %get3A_51 = vector.load %arg9[%get3A_49, %get3A_50] : memref<3x128xf32, #tpu.memory_space<vmem>>, vector<1x1xf32>
    %get3A_52 = vector.shape_cast %get3A_51 : vector<1x1xf32> to vector<1xf32>
    %broadcast_in_dim3A_53 = vector.shape_cast %get3A_52 : vector<1xf32> to vector<1x1xf32>
    %add3A_54 = vector.broadcast %broadcast_in_dim3A_53 : vector<1x1xf32> to vector<256x128xf32>
    %add3A_55 = arith.addf %dot_general3A_48, %add3A_54 : vector<256x128xf32>
    %get3A_56 = arith.constant 0 : index
    %get3A_57 = arith.constant 0 : index
    %get3A_58 = vector.load %arg8[%get3A_56, %get3A_57] : memref<32x128xf32, #tpu.memory_space<vmem>>, vector<32x128xf32>
    %dot_general3A_59 = arith.constant dense<0.000000e+00> : vector<256x128xf32>
    %dot_general3A_60 = tpu.matmul %slice3A, %get3A_58, %dot_general3A_59 {dimension_numbers = #tpu.dot_dimension_numbers<[1], [0], [0], [1], [0, 0, 1, 1], [], []>, transpose_lhs_hint = false} : vector<256x32xf32>, vector<32x128xf32>, vector<256x128xf32> -> vector<256x128xf32>
    %get3A_61 = arith.constant 2 : index
    %get3A_62 = arith.constant 0 : index
    %get3A_63 = vector.load %arg9[%get3A_61, %get3A_62] : memref<3x128xf32, #tpu.memory_space<vmem>>, vector<1x1xf32>
    %get3A_64 = vector.shape_cast %get3A_63 : vector<1x1xf32> to vector<1xf32>
    %broadcast_in_dim3A_65 = vector.shape_cast %get3A_64 : vector<1xf32> to vector<1x1xf32>
    %add3A_66 = vector.broadcast %broadcast_in_dim3A_65 : vector<1x1xf32> to vector<256x128xf32>
    %add3A_67 = arith.addf %dot_general3A_60, %add3A_66 : vector<256x128xf32>
    %mul3A_68 = arith.mulf %add3A_43, %mul3A_32 : vector<256x128xf32>
    %mul3A_69 = arith.mulf %add3A_55, %mul3A_32 : vector<256x128xf32>
    %mul3A_70 = arith.mulf %add3A_67, %mul3A_32 : vector<256x128xf32>
    %mul3A_71 = arith.mulf %slice3A_4, %slice3A_4 : vector<256x1xf32>
    %mul3A_72 = arith.mulf %slice3A_5, %slice3A_5 : vector<256x1xf32>
    %add3A_73 = arith.addf %mul3A_71, %mul3A_72 : vector<256x1xf32>
    %mul3A_74 = arith.mulf %slice3A_6, %slice3A_6 : vector<256x1xf32>
    %add3A_75 = arith.addf %add3A_73, %mul3A_74 : vector<256x1xf32>
    %mul3A_76 = arith.constant 0.333333343 : f32
    %mul3A_77 = vector.broadcast %mul3A_76 : f32 to vector<256x1xf32>
    %mul3A_78 = arith.mulf %add3A_75, %mul3A_77 : vector<256x1xf32>
    %mul3A_79 = vector.broadcast %slice3A_4 : vector<256x1xf32> to vector<256x128xf32>
    %mul3A_80 = arith.mulf %mul3A_69, %mul3A_79 : vector<256x128xf32>
    %mul3A_81 = vector.broadcast %slice3A_5 : vector<256x1xf32> to vector<256x128xf32>
    %mul3A_82 = arith.mulf %mul3A_69, %mul3A_81 : vector<256x128xf32>
    %mul3A_83 = vector.broadcast %slice3A_6 : vector<256x1xf32> to vector<256x128xf32>
    %mul3A_84 = arith.mulf %mul3A_69, %mul3A_83 : vector<256x128xf32>
    %mul3A_85 = arith.mulf %slice3A_4, %slice3A_4 : vector<256x1xf32>
    %sub3A = arith.subf %mul3A_85, %mul3A_78 : vector<256x1xf32>
    %mul3A_86 = vector.broadcast %sub3A : vector<256x1xf32> to vector<256x128xf32>
    %mul3A_87 = arith.mulf %mul3A_70, %mul3A_86 : vector<256x128xf32>
    %mul3A_88 = arith.mulf %slice3A_4, %slice3A_5 : vector<256x1xf32>
    %mul3A_89 = vector.broadcast %mul3A_88 : vector<256x1xf32> to vector<256x128xf32>
    %mul3A_90 = arith.mulf %mul3A_70, %mul3A_89 : vector<256x128xf32>
    %mul3A_91 = arith.mulf %slice3A_4, %slice3A_6 : vector<256x1xf32>
    %mul3A_92 = vector.broadcast %mul3A_91 : vector<256x1xf32> to vector<256x128xf32>
    %mul3A_93 = arith.mulf %mul3A_70, %mul3A_92 : vector<256x128xf32>
    %mul3A_94 = arith.mulf %slice3A_5, %slice3A_5 : vector<256x1xf32>
    %sub3A_95 = arith.subf %mul3A_94, %mul3A_78 : vector<256x1xf32>
    %mul3A_96 = vector.broadcast %sub3A_95 : vector<256x1xf32> to vector<256x128xf32>
    %mul3A_97 = arith.mulf %mul3A_70, %mul3A_96 : vector<256x128xf32>
    %mul3A_98 = arith.mulf %slice3A_5, %slice3A_6 : vector<256x1xf32>
    %mul3A_99 = vector.broadcast %mul3A_98 : vector<256x1xf32> to vector<256x128xf32>
    %mul3A_100 = arith.mulf %mul3A_70, %mul3A_99 : vector<256x128xf32>
    %concatenate3A = tpu.concatenate %mul3A_68, %mul3A_80, %mul3A_82, %mul3A_84, %mul3A_87, %mul3A_90, %mul3A_93, %mul3A_97, %mul3A_100 in 1 : vector<256x128xf32>, vector<256x128xf32>, vector<256x128xf32>, vector<256x128xf32>, vector<256x128xf32>, vector<256x128xf32>, vector<256x128xf32>, vector<256x128xf32>, vector<256x128xf32> -> vector<256x1152xf32>
    %iota3A = tpu.iota {dimensions = array<i32: 0>} : vector<256x1xi32>
    %get3A_101 = arith.index_cast %arg0 : i32 to index
    %get3A_102 = memref.load %arg3[%get3A_101] : memref<672xi32, #tpu.memory_space<smem>>
    %lt3A_103 = vector.broadcast %get3A_102 : i32 to vector<256x1xi32>
    %lt3A_104 = arith.cmpi slt, %iota3A, %lt3A_103 : vector<256x1xi32>
    %jit3A = arith.constant 0.000000e+00 : f32
    %broadcast_in_dim3A_105 = vector.shape_cast %lt3A_104 : vector<256x1xi1> to vector<256x1xi1>
    %broadcast_in_dim3A_106 = vector.broadcast %broadcast_in_dim3A_105 : vector<256x1xi1> to vector<256x1152xi1>
    %broadcast_in_dim3A_107 = vector.broadcast %jit3A : f32 to vector<256x1152xf32>
    %select_n3A = arith.select %broadcast_in_dim3A_106, %concatenate3A, %broadcast_in_dim3A_107 : vector<256x1152xi1>, vector<256x1152xf32>
    %iota3A_108 = tpu.iota {dimensions = array<i32: 1>} : vector<256x256xi32>
    %convert_element_type3A_109 = arith.sitofp %iota3A_108 : vector<256x256xi32> to vector<256x256xf32>
    %eq3A = vector.broadcast %slice3A_8 : vector<256x1xf32> to vector<256x256xf32>
    %eq3A_110 = arith.cmpf oeq, %convert_element_type3A_109, %eq3A : vector<256x256xf32>
    %convert_element_type3A_111 = arith.extui %eq3A_110 : vector<256x256xi1> to vector<256x256xi32>
    %convert_element_type3A_112 = arith.sitofp %convert_element_type3A_111 : vector<256x256xi32> to vector<256x256xf32>
    %convert_element_type3A_113 = arith.truncf %convert_element_type3A_112 : vector<256x256xf32> to vector<256x256xbf16>
    %convert_element_type3A_114 = arith.truncf %select_n3A : vector<256x1152xf32> to vector<256x1152xbf16>
    %dot_general3A_115 = arith.constant dense<0.000000e+00> : vector<256x1152xf32>
    %dot_general3A_116 = tpu.matmul %convert_element_type3A_113, %convert_element_type3A_114, %dot_general3A_115 {dimension_numbers = #tpu.dot_dimension_numbers<[0], [0], [1], [1], [0, 1, 1, 1], [], []>, transpose_lhs_hint = false} : vector<256x256xbf16>, vector<256x1152xbf16>, vector<256x1152xf32> -> vector<256x1152xf32>
    %get3A_117 = arith.index_cast %arg0 : i32 to index
    %get3A_118 = memref.load %arg2[%get3A_117] : memref<672xi32, #tpu.memory_space<smem>>
    %eq3A_119 = arith.constant 1 : i32
    %eq3A_120 = arith.cmpi eq, %get3A_118, %eq3A_119 : i32
    %convert_element_type3A_121 = arith.extui %eq3A_120 : i1 to i32
    %cond3A = arith.constant 0 : i32
    %cond3A_122 = arith.cmpi ne, %convert_element_type3A_121, %cond3A : i32
    scf.if %cond3A_122 {
      %broadcast_in_dim3A_129 = arith.constant 0.000000e+00 : f32
      %broadcast_in_dim3A_130 = vector.broadcast %broadcast_in_dim3A_129 : f32 to vector<256x1152xf32>
      %swap3A_131 = arith.constant 0 : index
      %swap3A_132 = arith.constant 0 : index
      %swap3A_133 = vector.load %arg11[%swap3A_131, %swap3A_132] : memref<256x1152xf32, #tpu.memory_space<vmem>>, vector<256x1152xf32>
      tpu.vector_store %arg11[%swap3A_131, %swap3A_132], %broadcast_in_dim3A_130 {strides = array<i32>} : memref<256x1152xf32, #tpu.memory_space<vmem>>, vector<256x1152xf32>,
    } else {
    }
    %get3A_123 = arith.constant 0 : index
    %get3A_124 = arith.constant 0 : index
    %get3A_125 = vector.load %arg11[%get3A_123, %get3A_124] : memref<256x1152xf32, #tpu.memory_space<vmem>>, vector<256x1152xf32>
    %add3A_126 = arith.addf %get3A_125, %dot_general3A_116 : vector<256x1152xf32>
    %swap3A = arith.constant 0 : index
    %swap3A_127 = arith.constant 0 : index
    %swap3A_128 = vector.load %arg11[%swap3A, %swap3A_127] : memref<256x1152xf32, #tpu.memory_space<vmem>>, vector<256x1152xf32>
    tpu.vector_store %arg11[%swap3A, %swap3A_127], %add3A_126 {strides = array<i32>} : memref<256x1152xf32, #tpu.memory_space<vmem>>, vector<256x1152xf32>,
    return
  }
  func.func @transform_0(%arg0: i32, %arg1: memref<672xi32, #tpu.memory_space<smem>>, %arg2: memref<672xi32, #tpu.memory_space<smem>>, %arg3: memref<672xi32, #tpu.memory_space<smem>>) -> (i32, i32, i32) {
    %c0_i32 = arith.constant 0 : i32
    %c0_i32_0 = arith.constant 0 : i32
    %c0_i32_1 = arith.constant 0 : i32
    return %arg0, %c0_i32, %c0_i32_0 : i32, i32, i32
  }
  func.func @transform_1(%arg0: i32, %arg1: memref<672xi32, #tpu.memory_space<smem>>, %arg2: memref<672xi32, #tpu.memory_space<smem>>, %arg3: memref<672xi32, #tpu.memory_space<smem>>) -> (i32, i32, i32) {
    %c0_i32 = arith.constant 0 : i32
    %c0_i32_0 = arith.constant 0 : i32
    %c0_i32_1 = arith.constant 0 : i32
    return %arg0, %c0_i32, %c0_i32_0 : i32, i32, i32
  }
  func.func @transform_2(%arg0: i32, %arg1: memref<672xi32, #tpu.memory_space<smem>>, %arg2: memref<672xi32, #tpu.memory_space<smem>>, %arg3: memref<672xi32, #tpu.memory_space<smem>>) -> (i32, i32) {
    %c0_i32 = arith.constant 0 : i32
    %c0_i32_0 = arith.constant 0 : i32
    %c0_i32_1 = arith.constant 0 : i32
    return %c0_i32, %c0_i32_0 : i32, i32
  }
  func.func @transform_3(%arg0: i32, %arg1: memref<672xi32, #tpu.memory_space<smem>>, %arg2: memref<672xi32, #tpu.memory_space<smem>>, %arg3: memref<672xi32, #tpu.memory_space<smem>>) -> (i32, i32) {
    %c0_i32 = arith.constant 0 : i32
    %c0_i32_0 = arith.constant 0 : i32
    %c0_i32_1 = arith.constant 0 : i32
    return %c0_i32, %c0_i32_0 : i32, i32
  }
  func.func @transform_4(%arg0: i32, %arg1: memref<672xi32, #tpu.memory_space<smem>>, %arg2: memref<672xi32, #tpu.memory_space<smem>>, %arg3: memref<672xi32, #tpu.memory_space<smem>>) -> (i32, i32) {
    %c0_i32 = arith.constant 0 : i32
    %c0_i32_0 = arith.constant 0 : i32
    %c0_i32_1 = arith.constant 0 : i32
    return %c0_i32, %c0_i32_0 : i32, i32
  }
  func.func @transform_5(%arg0: i32, %arg1: memref<672xi32, #tpu.memory_space<smem>>, %arg2: memref<672xi32, #tpu.memory_space<smem>>, %arg3: memref<672xi32, #tpu.memory_space<smem>>) -> (i32, i32) {
    %c0_i32 = arith.constant 0 : i32
    %c0_i32_0 = arith.constant 0 : i32
    %c0_i32_1 = arith.constant 0 : i32
    return %c0_i32, %c0_i32_0 : i32, i32
  }
  func.func @transform_6(%arg0: i32, %arg1: memref<672xi32, #tpu.memory_space<smem>>, %arg2: memref<672xi32, #tpu.memory_space<smem>>, %arg3: memref<672xi32, #tpu.memory_space<smem>>) -> (i32, i32) {
    %c0_i32 = arith.constant 0 : i32
    %c0_i32_0 = arith.constant 0 : i32
    %c0_i32_1 = arith.constant 0 : i32
    return %c0_i32, %c0_i32_0 : i32, i32
  }
  func.func @transform_7(%arg0: i32, %arg1: memref<672xi32, #tpu.memory_space<smem>>, %arg2: memref<672xi32, #tpu.memory_space<smem>>, %arg3: memref<672xi32, #tpu.memory_space<smem>>) -> (i32, i32) {
    %get3A = arith.index_cast %arg0 : i32 to index
    %get3A_0 = memref.load %arg1[%get3A] : memref<672xi32, #tpu.memory_space<smem>>
    %c0_i32 = arith.constant 0 : i32
    %c0_i32_1 = arith.constant 0 : i32
    return %get3A_0, %c0_i32 : i32, i32
  }
}

module attributes {stable_mosaic.version = 14 : i64} {
  func.func @_final_kernel(%arg0: i32, %arg1: memref<512x1152xf32, #tpu.memory_space<vmem>>, %arg2: memref<1x128xf32, #tpu.memory_space<vmem>>, %arg3: memref<1x128xf32, #tpu.memory_space<vmem>>, %arg4: memref<128x256xf32, #tpu.memory_space<vmem>>, %arg5: memref<1x256xf32, #tpu.memory_space<vmem>>, %arg6: memref<256x384xf32, #tpu.memory_space<vmem>>, %arg7: memref<1x384xf32, #tpu.memory_space<vmem>>, %arg8: memref<128x128xf32, #tpu.memory_space<vmem>>, %arg9: memref<128x128xf32, #tpu.memory_space<vmem>>, %arg10: memref<128x128xf32, #tpu.memory_space<vmem>>, %arg11: memref<9x512x128xf32, #tpu.memory_space<vmem>>) attributes {dimension_semantics = [#tpu.dimension_semantics<arbitrary>], iteration_bounds = array<i64: 20>, scalar_prefetch = 0 : i64, scratch_operands = 0 : i64, tpu.core_type = #tpu.core_type<tc>, window_params = [{transform_indices = @transform_0, window_bounds = array<i64: 512, 1152>}, {pipeline_mode = #tpu.pipeline_mode<synchronous>, transform_indices = @transform_1, window_bounds = array<i64: 1, 128>}, {pipeline_mode = #tpu.pipeline_mode<synchronous>, transform_indices = @transform_2, window_bounds = array<i64: 1, 128>}, {pipeline_mode = #tpu.pipeline_mode<synchronous>, transform_indices = @transform_3, window_bounds = array<i64: 128, 256>}, {pipeline_mode = #tpu.pipeline_mode<synchronous>, transform_indices = @transform_4, window_bounds = array<i64: 1, 256>}, {pipeline_mode = #tpu.pipeline_mode<synchronous>, transform_indices = @transform_5, window_bounds = array<i64: 256, 384>}, {pipeline_mode = #tpu.pipeline_mode<synchronous>, transform_indices = @transform_6, window_bounds = array<i64: 1, 384>}, {pipeline_mode = #tpu.pipeline_mode<synchronous>, transform_indices = @transform_7, window_bounds = array<i64: 128, 128>}, {pipeline_mode = #tpu.pipeline_mode<synchronous>, transform_indices = @transform_8, window_bounds = array<i64: 128, 128>}, {pipeline_mode = #tpu.pipeline_mode<synchronous>, transform_indices = @transform_9, window_bounds = array<i64: 128, 128>}, {transform_indices = @transform_10, window_bounds = array<i64: 9, 512, 128>}]} {
    %get3A = arith.constant 0 : index
    %get3A_0 = arith.constant 0 : index
    %get3A_1 = vector.load %arg1[%get3A, %get3A_0] : memref<512x1152xf32, #tpu.memory_space<vmem>>, vector<512x1152xf32>
    %slice3A = vector.extract_strided_slice %get3A_1 {offsets = [0, 0], sizes = [512, 128], strides = [1, 1]} : vector<512x1152xf32> to vector<512x128xf32>
    %slice3A_2 = vector.extract_strided_slice %get3A_1 {offsets = [0, 128], sizes = [512, 128], strides = [1, 1]} : vector<512x1152xf32> to vector<512x128xf32>
    %slice3A_3 = vector.extract_strided_slice %get3A_1 {offsets = [0, 256], sizes = [512, 128], strides = [1, 1]} : vector<512x1152xf32> to vector<512x128xf32>
    %slice3A_4 = vector.extract_strided_slice %get3A_1 {offsets = [0, 384], sizes = [512, 128], strides = [1, 1]} : vector<512x1152xf32> to vector<512x128xf32>
    %slice3A_5 = vector.extract_strided_slice %get3A_1 {offsets = [0, 512], sizes = [512, 128], strides = [1, 1]} : vector<512x1152xf32> to vector<512x128xf32>
    %slice3A_6 = vector.extract_strided_slice %get3A_1 {offsets = [0, 640], sizes = [512, 128], strides = [1, 1]} : vector<512x1152xf32> to vector<512x128xf32>
    %slice3A_7 = vector.extract_strided_slice %get3A_1 {offsets = [0, 768], sizes = [512, 128], strides = [1, 1]} : vector<512x1152xf32> to vector<512x128xf32>
    %slice3A_8 = vector.extract_strided_slice %get3A_1 {offsets = [0, 896], sizes = [512, 128], strides = [1, 1]} : vector<512x1152xf32> to vector<512x128xf32>
    %slice3A_9 = vector.extract_strided_slice %get3A_1 {offsets = [0, 1024], sizes = [512, 128], strides = [1, 1]} : vector<512x1152xf32> to vector<512x128xf32>
    %mul3A = arith.constant 3.000000e+00 : f32
    %mul3A_10 = vector.broadcast %mul3A : f32 to vector<512x128xf32>
    %mul3A_11 = arith.mulf %mul3A_10, %slice3A : vector<512x128xf32>
    %mul3A_12 = arith.mulf %mul3A_11, %slice3A : vector<512x128xf32>
    %mul3A_13 = arith.mulf %slice3A_2, %slice3A_2 : vector<512x128xf32>
    %mul3A_14 = arith.mulf %slice3A_3, %slice3A_3 : vector<512x128xf32>
    %add3A = arith.addf %mul3A_13, %mul3A_14 : vector<512x128xf32>
    %mul3A_15 = arith.mulf %slice3A_4, %slice3A_4 : vector<512x128xf32>
    %add3A_16 = arith.addf %add3A, %mul3A_15 : vector<512x128xf32>
    %mul3A_17 = arith.constant 2.000000e+00 : f32
    %mul3A_18 = vector.broadcast %mul3A_17 : f32 to vector<512x128xf32>
    %mul3A_19 = arith.mulf %mul3A_18, %add3A_16 : vector<512x128xf32>
    %add3A_20 = arith.addf %mul3A_12, %mul3A_19 : vector<512x128xf32>
    %mul3A_21 = arith.mulf %slice3A_5, %slice3A_5 : vector<512x128xf32>
    %add3A_22 = arith.addf %add3A_20, %mul3A_21 : vector<512x128xf32>
    %mul3A_23 = arith.mulf %slice3A_8, %slice3A_8 : vector<512x128xf32>
    %add3A_24 = arith.addf %add3A_22, %mul3A_23 : vector<512x128xf32>
    %add3A_25 = arith.addf %slice3A_5, %slice3A_8 : vector<512x128xf32>
    %add3A_26 = arith.addf %slice3A_5, %slice3A_8 : vector<512x128xf32>
    %mul3A_27 = arith.mulf %add3A_25, %add3A_26 : vector<512x128xf32>
    %add3A_28 = arith.addf %add3A_24, %mul3A_27 : vector<512x128xf32>
    %mul3A_29 = arith.mulf %slice3A_6, %slice3A_6 : vector<512x128xf32>
    %mul3A_30 = arith.mulf %slice3A_7, %slice3A_7 : vector<512x128xf32>
    %add3A_31 = arith.addf %mul3A_29, %mul3A_30 : vector<512x128xf32>
    %mul3A_32 = arith.mulf %slice3A_9, %slice3A_9 : vector<512x128xf32>
    %add3A_33 = arith.addf %add3A_31, %mul3A_32 : vector<512x128xf32>
    %mul3A_34 = arith.constant 2.000000e+00 : f32
    %mul3A_35 = vector.broadcast %mul3A_34 : f32 to vector<512x128xf32>
    %mul3A_36 = arith.mulf %mul3A_35, %add3A_33 : vector<512x128xf32>
    %add3A_37 = arith.addf %add3A_28, %mul3A_36 : vector<512x128xf32>
    %reduce_sum3A = arith.constant dense<0.000000e+00> : vector<512xf32>
    %reduce_sum3A_38 = vector.multi_reduction <add>, %add3A_37, %reduce_sum3A [1] : vector<512x128xf32> to vector<512xf32>
    %broadcast_in_dim3A = vector.shape_cast %reduce_sum3A_38 : vector<512xf32> to vector<512x1xf32>
    %div3A = arith.constant 1.280000e+02 : f32
    %div3A_39 = vector.broadcast %div3A : f32 to vector<512x1xf32>
    %div3A_40 = arith.divf %broadcast_in_dim3A, %div3A_39 : vector<512x1xf32>
    %sub3A = vector.broadcast %div3A_40 : vector<512x1xf32> to vector<512x128xf32>
    %sub3A_41 = arith.subf %add3A_37, %sub3A : vector<512x128xf32>
    %mul3A_42 = arith.mulf %sub3A_41, %sub3A_41 : vector<512x128xf32>
    %reduce_sum3A_43 = arith.constant dense<0.000000e+00> : vector<512xf32>
    %reduce_sum3A_44 = vector.multi_reduction <add>, %mul3A_42, %reduce_sum3A_43 [1] : vector<512x128xf32> to vector<512xf32>
    %broadcast_in_dim3A_45 = vector.shape_cast %reduce_sum3A_44 : vector<512xf32> to vector<512x1xf32>
    %div3A_46 = arith.constant 1.280000e+02 : f32
    %div3A_47 = vector.broadcast %div3A_46 : f32 to vector<512x1xf32>
    %div3A_48 = arith.divf %broadcast_in_dim3A_45, %div3A_47 : vector<512x1xf32>
    %add3A_49 = arith.constant 9.99999974E-6 : f32
    %add3A_50 = vector.broadcast %add3A_49 : f32 to vector<512x1xf32>
    %add3A_51 = arith.addf %div3A_48, %add3A_50 : vector<512x1xf32>
    %rsqrt3A = math.rsqrt %add3A_51 : vector<512x1xf32>
    %mul3A_52 = vector.broadcast %rsqrt3A : vector<512x1xf32> to vector<512x128xf32>
    %mul3A_53 = arith.mulf %sub3A_41, %mul3A_52 : vector<512x128xf32>
    %get3A_54 = arith.constant 0 : index
    %get3A_55 = arith.constant 0 : index
    %get3A_56 = vector.load %arg2[%get3A_54, %get3A_55] : memref<1x128xf32, #tpu.memory_space<vmem>>, vector<1x128xf32>
    %get3A_57 = vector.shape_cast %get3A_56 : vector<1x128xf32> to vector<128xf32>
    %broadcast_in_dim3A_58 = vector.shape_cast %get3A_57 : vector<128xf32> to vector<1x128xf32>
    %mul3A_59 = vector.broadcast %broadcast_in_dim3A_58 : vector<1x128xf32> to vector<512x128xf32>
    %mul3A_60 = arith.mulf %mul3A_53, %mul3A_59 : vector<512x128xf32>
    %get3A_61 = arith.constant 0 : index
    %get3A_62 = arith.constant 0 : index
    %get3A_63 = vector.load %arg3[%get3A_61, %get3A_62] : memref<1x128xf32, #tpu.memory_space<vmem>>, vector<1x128xf32>
    %get3A_64 = vector.shape_cast %get3A_63 : vector<1x128xf32> to vector<128xf32>
    %broadcast_in_dim3A_65 = vector.shape_cast %get3A_64 : vector<128xf32> to vector<1x128xf32>
    %add3A_66 = vector.broadcast %broadcast_in_dim3A_65 : vector<1x128xf32> to vector<512x128xf32>
    %add3A_67 = arith.addf %mul3A_60, %add3A_66 : vector<512x128xf32>
    %get3A_68 = arith.constant 0 : index
    %get3A_69 = arith.constant 0 : index
    %get3A_70 = vector.load %arg4[%get3A_68, %get3A_69] : memref<128x256xf32, #tpu.memory_space<vmem>>, vector<128x256xf32>
    %dot_general3A = arith.constant dense<0.000000e+00> : vector<512x256xf32>
    %dot_general3A_71 = tpu.matmul %add3A_67, %get3A_70, %dot_general3A {dimension_numbers = #tpu.dot_dimension_numbers<[1], [0], [0], [1], [0, 0, 1, 1], [], []>, transpose_lhs_hint = false} : vector<512x128xf32>, vector<128x256xf32>, vector<512x256xf32> -> vector<512x256xf32>
    %get3A_72 = arith.constant 0 : index
    %get3A_73 = arith.constant 0 : index
    %get3A_74 = vector.load %arg5[%get3A_72, %get3A_73] : memref<1x256xf32, #tpu.memory_space<vmem>>, vector<1x256xf32>
    %get3A_75 = vector.shape_cast %get3A_74 : vector<1x256xf32> to vector<256xf32>
    %broadcast_in_dim3A_76 = vector.shape_cast %get3A_75 : vector<256xf32> to vector<1x256xf32>
    %add3A_77 = vector.broadcast %broadcast_in_dim3A_76 : vector<1x256xf32> to vector<512x256xf32>
    %add3A_78 = arith.addf %dot_general3A_71, %add3A_77 : vector<512x256xf32>
    %neg3A = arith.constant 0.000000e+00 : f32
    %neg3A_79 = vector.broadcast %neg3A : f32 to vector<512x256xf32>
    %neg3A_80 = arith.subf %neg3A_79, %add3A_78 : vector<512x256xf32>
    %exp3A = math.exp %neg3A_80 : vector<512x256xf32>
    %add3A_81 = arith.constant 1.000000e+00 : f32
    %add3A_82 = vector.broadcast %add3A_81 : f32 to vector<512x256xf32>
    %add3A_83 = arith.addf %add3A_82, %exp3A : vector<512x256xf32>
    %div3A_84 = arith.divf %add3A_78, %add3A_83 : vector<512x256xf32>
    %get3A_85 = arith.constant 0 : index
    %get3A_86 = arith.constant 0 : index
    %get3A_87 = vector.load %arg6[%get3A_85, %get3A_86] : memref<256x384xf32, #tpu.memory_space<vmem>>, vector<256x384xf32>
    %dot_general3A_88 = arith.constant dense<0.000000e+00> : vector<512x384xf32>
    %dot_general3A_89 = tpu.matmul %div3A_84, %get3A_87, %dot_general3A_88 {dimension_numbers = #tpu.dot_dimension_numbers<[1], [0], [0], [1], [0, 0, 1, 1], [], []>, transpose_lhs_hint = false} : vector<512x256xf32>, vector<256x384xf32>, vector<512x384xf32> -> vector<512x384xf32>
    %get3A_90 = arith.constant 0 : index
    %get3A_91 = arith.constant 0 : index
    %get3A_92 = vector.load %arg7[%get3A_90, %get3A_91] : memref<1x384xf32, #tpu.memory_space<vmem>>, vector<1x384xf32>
    %get3A_93 = vector.shape_cast %get3A_92 : vector<1x384xf32> to vector<384xf32>
    %broadcast_in_dim3A_94 = vector.shape_cast %get3A_93 : vector<384xf32> to vector<1x384xf32>
    %add3A_95 = vector.broadcast %broadcast_in_dim3A_94 : vector<1x384xf32> to vector<512x384xf32>
    %add3A_96 = arith.addf %dot_general3A_89, %add3A_95 : vector<512x384xf32>
    %neg3A_97 = arith.constant 0.000000e+00 : f32
    %neg3A_98 = vector.broadcast %neg3A_97 : f32 to vector<512x384xf32>
    %neg3A_99 = arith.subf %neg3A_98, %add3A_96 : vector<512x384xf32>
    %exp3A_100 = math.exp %neg3A_99 : vector<512x384xf32>
    %add3A_101 = arith.constant 1.000000e+00 : f32
    %add3A_102 = vector.broadcast %add3A_101 : f32 to vector<512x384xf32>
    %add3A_103 = arith.addf %add3A_102, %exp3A_100 : vector<512x384xf32>
    %div3A_104 = arith.divf %add3A_96, %add3A_103 : vector<512x384xf32>
    %slice3A_105 = vector.extract_strided_slice %div3A_104 {offsets = [0, 0], sizes = [512, 128], strides = [1, 1]} : vector<512x384xf32> to vector<512x128xf32>
    %slice3A_106 = vector.extract_strided_slice %div3A_104 {offsets = [0, 128], sizes = [512, 128], strides = [1, 1]} : vector<512x384xf32> to vector<512x128xf32>
    %slice3A_107 = vector.extract_strided_slice %div3A_104 {offsets = [0, 256], sizes = [512, 128], strides = [1, 1]} : vector<512x384xf32> to vector<512x128xf32>
    %get3A_108 = arith.constant 0 : index
    %get3A_109 = arith.constant 0 : index
    %get3A_110 = vector.load %arg8[%get3A_108, %get3A_109] : memref<128x128xf32, #tpu.memory_space<vmem>>, vector<128x128xf32>
    %dot_general3A_111 = arith.constant dense<0.000000e+00> : vector<512x128xf32>
    %dot_general3A_112 = tpu.matmul %slice3A, %get3A_110, %dot_general3A_111 {dimension_numbers = #tpu.dot_dimension_numbers<[1], [0], [0], [1], [0, 0, 1, 1], [], []>, transpose_lhs_hint = false} : vector<512x128xf32>, vector<128x128xf32>, vector<512x128xf32> -> vector<512x128xf32>
    %mul3A_113 = arith.mulf %dot_general3A_112, %slice3A_105 : vector<512x128xf32>
    %get3A_114 = arith.constant 0 : index
    %get3A_115 = arith.constant 0 : index
    %get3A_116 = vector.load %arg9[%get3A_114, %get3A_115] : memref<128x128xf32, #tpu.memory_space<vmem>>, vector<128x128xf32>
    %dot_general3A_117 = arith.constant dense<0.000000e+00> : vector<512x128xf32>
    %dot_general3A_118 = tpu.matmul %slice3A_2, %get3A_116, %dot_general3A_117 {dimension_numbers = #tpu.dot_dimension_numbers<[1], [0], [0], [1], [0, 0, 1, 1], [], []>, transpose_lhs_hint = false} : vector<512x128xf32>, vector<128x128xf32>, vector<512x128xf32> -> vector<512x128xf32>
    %mul3A_119 = arith.mulf %dot_general3A_118, %slice3A_106 : vector<512x128xf32>
    %get3A_120 = arith.constant 0 : index
    %get3A_121 = arith.constant 0 : index
    %get3A_122 = vector.load %arg9[%get3A_120, %get3A_121] : memref<128x128xf32, #tpu.memory_space<vmem>>, vector<128x128xf32>
    %dot_general3A_123 = arith.constant dense<0.000000e+00> : vector<512x128xf32>
    %dot_general3A_124 = tpu.matmul %slice3A_3, %get3A_122, %dot_general3A_123 {dimension_numbers = #tpu.dot_dimension_numbers<[1], [0], [0], [1], [0, 0, 1, 1], [], []>, transpose_lhs_hint = false} : vector<512x128xf32>, vector<128x128xf32>, vector<512x128xf32> -> vector<512x128xf32>
    %mul3A_125 = arith.mulf %dot_general3A_124, %slice3A_106 : vector<512x128xf32>
    %get3A_126 = arith.constant 0 : index
    %get3A_127 = arith.constant 0 : index
    %get3A_128 = vector.load %arg9[%get3A_126, %get3A_127] : memref<128x128xf32, #tpu.memory_space<vmem>>, vector<128x128xf32>
    %dot_general3A_129 = arith.constant dense<0.000000e+00> : vector<512x128xf32>
    %dot_general3A_130 = tpu.matmul %slice3A_4, %get3A_128, %dot_general3A_129 {dimension_numbers = #tpu.dot_dimension_numbers<[1], [0], [0], [1], [0, 0, 1, 1], [], []>, transpose_lhs_hint = false} : vector<512x128xf32>, vector<128x128xf32>, vector<512x128xf32> -> vector<512x128xf32>
    %mul3A_131 = arith.mulf %dot_general3A_130, %slice3A_106 : vector<512x128xf32>
    %get3A_132 = arith.constant 0 : index
    %get3A_133 = arith.constant 0 : index
    %get3A_134 = vector.load %arg10[%get3A_132, %get3A_133] : memref<128x128xf32, #tpu.memory_space<vmem>>, vector<128x128xf32>
    %dot_general3A_135 = arith.constant dense<0.000000e+00> : vector<512x128xf32>
    %dot_general3A_136 = tpu.matmul %slice3A_5, %get3A_134, %dot_general3A_135 {dimension_numbers = #tpu.dot_dimension_numbers<[1], [0], [0], [1], [0, 0, 1, 1], [], []>, transpose_lhs_hint = false} : vector<512x128xf32>, vector<128x128xf32>, vector<512x128xf32> -> vector<512x128xf32>
    %mul3A_137 = arith.mulf %dot_general3A_136, %slice3A_107 : vector<512x128xf32>
    %get3A_138 = arith.constant 0 : index
    %get3A_139 = arith.constant 0 : index
    %get3A_140 = vector.load %arg10[%get3A_138, %get3A_139] : memref<128x128xf32, #tpu.memory_space<vmem>>, vector<128x128xf32>
    %dot_general3A_141 = arith.constant dense<0.000000e+00> : vector<512x128xf32>
    %dot_general3A_142 = tpu.matmul %slice3A_6, %get3A_140, %dot_general3A_141 {dimension_numbers = #tpu.dot_dimension_numbers<[1], [0], [0], [1], [0, 0, 1, 1], [], []>, transpose_lhs_hint = false} : vector<512x128xf32>, vector<128x128xf32>, vector<512x128xf32> -> vector<512x128xf32>
    %mul3A_143 = arith.mulf %dot_general3A_142, %slice3A_107 : vector<512x128xf32>
    %get3A_144 = arith.constant 0 : index
    %get3A_145 = arith.constant 0 : index
    %get3A_146 = vector.load %arg10[%get3A_144, %get3A_145] : memref<128x128xf32, #tpu.memory_space<vmem>>, vector<128x128xf32>
    %dot_general3A_147 = arith.constant dense<0.000000e+00> : vector<512x128xf32>
    %dot_general3A_148 = tpu.matmul %slice3A_7, %get3A_146, %dot_general3A_147 {dimension_numbers = #tpu.dot_dimension_numbers<[1], [0], [0], [1], [0, 0, 1, 1], [], []>, transpose_lhs_hint = false} : vector<512x128xf32>, vector<128x128xf32>, vector<512x128xf32> -> vector<512x128xf32>
    %mul3A_149 = arith.mulf %dot_general3A_148, %slice3A_107 : vector<512x128xf32>
    %get3A_150 = arith.constant 0 : index
    %get3A_151 = arith.constant 0 : index
    %get3A_152 = vector.load %arg10[%get3A_150, %get3A_151] : memref<128x128xf32, #tpu.memory_space<vmem>>, vector<128x128xf32>
    %dot_general3A_153 = arith.constant dense<0.000000e+00> : vector<512x128xf32>
    %dot_general3A_154 = tpu.matmul %slice3A_8, %get3A_152, %dot_general3A_153 {dimension_numbers = #tpu.dot_dimension_numbers<[1], [0], [0], [1], [0, 0, 1, 1], [], []>, transpose_lhs_hint = false} : vector<512x128xf32>, vector<128x128xf32>, vector<512x128xf32> -> vector<512x128xf32>
    %mul3A_155 = arith.mulf %dot_general3A_154, %slice3A_107 : vector<512x128xf32>
    %get3A_156 = arith.constant 0 : index
    %get3A_157 = arith.constant 0 : index
    %get3A_158 = vector.load %arg10[%get3A_156, %get3A_157] : memref<128x128xf32, #tpu.memory_space<vmem>>, vector<128x128xf32>
    %dot_general3A_159 = arith.constant dense<0.000000e+00> : vector<512x128xf32>
    %dot_general3A_160 = tpu.matmul %slice3A_9, %get3A_158, %dot_general3A_159 {dimension_numbers = #tpu.dot_dimension_numbers<[1], [0], [0], [1], [0, 0, 1, 1], [], []>, transpose_lhs_hint = false} : vector<512x128xf32>, vector<128x128xf32>, vector<512x128xf32> -> vector<512x128xf32>
    %mul3A_161 = arith.mulf %dot_general3A_160, %slice3A_107 : vector<512x128xf32>
    %add3A_162 = arith.addf %mul3A_113, %mul3A_137 : vector<512x128xf32>
    %swap3A = arith.constant 0 : index
    %swap3A_163 = arith.constant 0 : index
    %swap3A_164 = arith.constant 0 : index
    %swap3A_165 = vector.load %arg11[%swap3A, %swap3A_163, %swap3A_164] : memref<9x512x128xf32, #tpu.memory_space<vmem>>, vector<1x512x128xf32>
    %swap3A_166 = vector.shape_cast %swap3A_165 : vector<1x512x128xf32> to vector<512x128xf32>
    %swap3A_167 = vector.shape_cast %add3A_162 : vector<512x128xf32> to vector<1x512x128xf32>
    tpu.vector_store %arg11[%swap3A, %swap3A_163, %swap3A_164], %swap3A_167 {strides = array<i32>} : memref<9x512x128xf32, #tpu.memory_space<vmem>>, vector<1x512x128xf32>,
    %neg3A_168 = arith.constant 0.000000e+00 : f32
    %neg3A_169 = vector.broadcast %neg3A_168 : f32 to vector<512x128xf32>
    %neg3A_170 = arith.subf %neg3A_169, %mul3A_131 : vector<512x128xf32>
    %add3A_171 = arith.addf %neg3A_170, %mul3A_143 : vector<512x128xf32>
    %swap3A_172 = arith.constant 1 : index
    %swap3A_173 = arith.constant 0 : index
    %swap3A_174 = arith.constant 0 : index
    %swap3A_175 = vector.load %arg11[%swap3A_172, %swap3A_173, %swap3A_174] : memref<9x512x128xf32, #tpu.memory_space<vmem>>, vector<1x512x128xf32>
    %swap3A_176 = vector.shape_cast %swap3A_175 : vector<1x512x128xf32> to vector<512x128xf32>
    %swap3A_177 = vector.shape_cast %add3A_171 : vector<512x128xf32> to vector<1x512x128xf32>
    tpu.vector_store %arg11[%swap3A_172, %swap3A_173, %swap3A_174], %swap3A_177 {strides = array<i32>} : memref<9x512x128xf32, #tpu.memory_space<vmem>>, vector<1x512x128xf32>,
    %add3A_178 = arith.addf %mul3A_125, %mul3A_149 : vector<512x128xf32>
    %swap3A_179 = arith.constant 2 : index
    %swap3A_180 = arith.constant 0 : index
    %swap3A_181 = arith.constant 0 : index
    %swap3A_182 = vector.load %arg11[%swap3A_179, %swap3A_180, %swap3A_181] : memref<9x512x128xf32, #tpu.memory_space<vmem>>, vector<1x512x128xf32>
    %swap3A_183 = vector.shape_cast %swap3A_182 : vector<1x512x128xf32> to vector<512x128xf32>
    %swap3A_184 = vector.shape_cast %add3A_178 : vector<512x128xf32> to vector<1x512x128xf32>
    tpu.vector_store %arg11[%swap3A_179, %swap3A_180, %swap3A_181], %swap3A_184 {strides = array<i32>} : memref<9x512x128xf32, #tpu.memory_space<vmem>>, vector<1x512x128xf32>,
    %add3A_185 = arith.addf %mul3A_131, %mul3A_143 : vector<512x128xf32>
    %swap3A_186 = arith.constant 3 : index
    %swap3A_187 = arith.constant 0 : index
    %swap3A_188 = arith.constant 0 : index
    %swap3A_189 = vector.load %arg11[%swap3A_186, %swap3A_187, %swap3A_188] : memref<9x512x128xf32, #tpu.memory_space<vmem>>, vector<1x512x128xf32>
    %swap3A_190 = vector.shape_cast %swap3A_189 : vector<1x512x128xf32> to vector<512x128xf32>
    %swap3A_191 = vector.shape_cast %add3A_185 : vector<512x128xf32> to vector<1x512x128xf32>
    tpu.vector_store %arg11[%swap3A_186, %swap3A_187, %swap3A_188], %swap3A_191 {strides = array<i32>} : memref<9x512x128xf32, #tpu.memory_space<vmem>>, vector<1x512x128xf32>,
    %add3A_192 = arith.addf %mul3A_113, %mul3A_155 : vector<512x128xf32>
    %swap3A_193 = arith.constant 4 : index
    %swap3A_194 = arith.constant 0 : index
    %swap3A_195 = arith.constant 0 : index
    %swap3A_196 = vector.load %arg11[%swap3A_193, %swap3A_194, %swap3A_195] : memref<9x512x128xf32, #tpu.memory_space<vmem>>, vector<1x512x128xf32>
    %swap3A_197 = vector.shape_cast %swap3A_196 : vector<1x512x128xf32> to vector<512x128xf32>
    %swap3A_198 = vector.shape_cast %add3A_192 : vector<512x128xf32> to vector<1x512x128xf32>
    tpu.vector_store %arg11[%swap3A_193, %swap3A_194, %swap3A_195], %swap3A_198 {strides = array<i32>} : memref<9x512x128xf32, #tpu.memory_space<vmem>>, vector<1x512x128xf32>,
    %neg3A_199 = arith.constant 0.000000e+00 : f32
    %neg3A_200 = vector.broadcast %neg3A_199 : f32 to vector<512x128xf32>
    %neg3A_201 = arith.subf %neg3A_200, %mul3A_119 : vector<512x128xf32>
    %add3A_202 = arith.addf %neg3A_201, %mul3A_161 : vector<512x128xf32>
    %swap3A_203 = arith.constant 5 : index
    %swap3A_204 = arith.constant 0 : index
    %swap3A_205 = arith.constant 0 : index
    %swap3A_206 = vector.load %arg11[%swap3A_203, %swap3A_204, %swap3A_205] : memref<9x512x128xf32, #tpu.memory_space<vmem>>, vector<1x512x128xf32>
    %swap3A_207 = vector.shape_cast %swap3A_206 : vector<1x512x128xf32> to vector<512x128xf32>
    %swap3A_208 = vector.shape_cast %add3A_202 : vector<512x128xf32> to vector<1x512x128xf32>
    tpu.vector_store %arg11[%swap3A_203, %swap3A_204, %swap3A_205], %swap3A_208 {strides = array<i32>} : memref<9x512x128xf32, #tpu.memory_space<vmem>>, vector<1x512x128xf32>,
    %neg3A_209 = arith.constant 0.000000e+00 : f32
    %neg3A_210 = vector.broadcast %neg3A_209 : f32 to vector<512x128xf32>
    %neg3A_211 = arith.subf %neg3A_210, %mul3A_125 : vector<512x128xf32>
    %add3A_212 = arith.addf %neg3A_211, %mul3A_149 : vector<512x128xf32>
    %swap3A_213 = arith.constant 6 : index
    %swap3A_214 = arith.constant 0 : index
    %swap3A_215 = arith.constant 0 : index
    %swap3A_216 = vector.load %arg11[%swap3A_213, %swap3A_214, %swap3A_215] : memref<9x512x128xf32, #tpu.memory_space<vmem>>, vector<1x512x128xf32>
    %swap3A_217 = vector.shape_cast %swap3A_216 : vector<1x512x128xf32> to vector<512x128xf32>
    %swap3A_218 = vector.shape_cast %add3A_212 : vector<512x128xf32> to vector<1x512x128xf32>
    tpu.vector_store %arg11[%swap3A_213, %swap3A_214, %swap3A_215], %swap3A_218 {strides = array<i32>} : memref<9x512x128xf32, #tpu.memory_space<vmem>>, vector<1x512x128xf32>,
    %add3A_219 = arith.addf %mul3A_119, %mul3A_161 : vector<512x128xf32>
    %swap3A_220 = arith.constant 7 : index
    %swap3A_221 = arith.constant 0 : index
    %swap3A_222 = arith.constant 0 : index
    %swap3A_223 = vector.load %arg11[%swap3A_220, %swap3A_221, %swap3A_222] : memref<9x512x128xf32, #tpu.memory_space<vmem>>, vector<1x512x128xf32>
    %swap3A_224 = vector.shape_cast %swap3A_223 : vector<1x512x128xf32> to vector<512x128xf32>
    %swap3A_225 = vector.shape_cast %add3A_219 : vector<512x128xf32> to vector<1x512x128xf32>
    tpu.vector_store %arg11[%swap3A_220, %swap3A_221, %swap3A_222], %swap3A_225 {strides = array<i32>} : memref<9x512x128xf32, #tpu.memory_space<vmem>>, vector<1x512x128xf32>,
    %sub3A_226 = arith.subf %mul3A_113, %mul3A_137 : vector<512x128xf32>
    %sub3A_227 = arith.subf %sub3A_226, %mul3A_155 : vector<512x128xf32>
    %swap3A_228 = arith.constant 8 : index
    %swap3A_229 = arith.constant 0 : index
    %swap3A_230 = arith.constant 0 : index
    %swap3A_231 = vector.load %arg11[%swap3A_228, %swap3A_229, %swap3A_230] : memref<9x512x128xf32, #tpu.memory_space<vmem>>, vector<1x512x128xf32>
    %swap3A_232 = vector.shape_cast %swap3A_231 : vector<1x512x128xf32> to vector<512x128xf32>
    %swap3A_233 = vector.shape_cast %sub3A_227 : vector<512x128xf32> to vector<1x512x128xf32>
    tpu.vector_store %arg11[%swap3A_228, %swap3A_229, %swap3A_230], %swap3A_233 {strides = array<i32>} : memref<9x512x128xf32, #tpu.memory_space<vmem>>, vector<1x512x128xf32>,
    return
  }
  func.func @transform_0(%arg0: i32) -> (i32, i32) {
    %c0_i32 = arith.constant 0 : i32
    %c0_i32_0 = arith.constant 0 : i32
    return %arg0, %c0_i32 : i32, i32
  }
  func.func @transform_1(%arg0: i32) -> (i32, i32) {
    %c0_i32 = arith.constant 0 : i32
    %c0_i32_0 = arith.constant 0 : i32
    %c0_i32_1 = arith.constant 0 : i32
    return %c0_i32, %c0_i32_0 : i32, i32
  }
  func.func @transform_2(%arg0: i32) -> (i32, i32) {
    %c0_i32 = arith.constant 0 : i32
    %c0_i32_0 = arith.constant 0 : i32
    %c0_i32_1 = arith.constant 0 : i32
    return %c0_i32, %c0_i32_0 : i32, i32
  }
  func.func @transform_3(%arg0: i32) -> (i32, i32) {
    %c0_i32 = arith.constant 0 : i32
    %c0_i32_0 = arith.constant 0 : i32
    %c0_i32_1 = arith.constant 0 : i32
    return %c0_i32, %c0_i32_0 : i32, i32
  }
  func.func @transform_4(%arg0: i32) -> (i32, i32) {
    %c0_i32 = arith.constant 0 : i32
    %c0_i32_0 = arith.constant 0 : i32
    %c0_i32_1 = arith.constant 0 : i32
    return %c0_i32, %c0_i32_0 : i32, i32
  }
  func.func @transform_5(%arg0: i32) -> (i32, i32) {
    %c0_i32 = arith.constant 0 : i32
    %c0_i32_0 = arith.constant 0 : i32
    %c0_i32_1 = arith.constant 0 : i32
    return %c0_i32, %c0_i32_0 : i32, i32
  }
  func.func @transform_6(%arg0: i32) -> (i32, i32) {
    %c0_i32 = arith.constant 0 : i32
    %c0_i32_0 = arith.constant 0 : i32
    %c0_i32_1 = arith.constant 0 : i32
    return %c0_i32, %c0_i32_0 : i32, i32
  }
  func.func @transform_7(%arg0: i32) -> (i32, i32) {
    %c0_i32 = arith.constant 0 : i32
    %c0_i32_0 = arith.constant 0 : i32
    %c0_i32_1 = arith.constant 0 : i32
    return %c0_i32, %c0_i32_0 : i32, i32
  }
  func.func @transform_8(%arg0: i32) -> (i32, i32) {
    %c0_i32 = arith.constant 0 : i32
    %c0_i32_0 = arith.constant 0 : i32
    %c0_i32_1 = arith.constant 0 : i32
    return %c0_i32, %c0_i32_0 : i32, i32
  }
  func.func @transform_9(%arg0: i32) -> (i32, i32) {
    %c0_i32 = arith.constant 0 : i32
    %c0_i32_0 = arith.constant 0 : i32
    %c0_i32_1 = arith.constant 0 : i32
    return %c0_i32, %c0_i32_0 : i32, i32
  }
  func.func @transform_10(%arg0: i32) -> (i32, i32, i32) {
    %c0_i32 = arith.constant 0 : i32
    %c0_i32_0 = arith.constant 0 : i32
    %c0_i32_1 = arith.constant 0 : i32
    return %c0_i32, %arg0, %c0_i32_0 : i32, i32, i32
  }
}

</mosaic_0001>

<sc_bundles>
// kernel: kernel.6.cloned.1.call-start
scs
__scs_entry_jumppad:
0x0: {  	(pc) =	sbr.rel $0x88, $3  }
0x1: {  	(tag) =	ssettag $0x0;
	lr =	simm.s32 $0x1  }
0x2: {  	[smem:$0x3F8A] =	sst lr;
	_ =	strace $0xD0000000  }
0x3: {  	_ = 	snop  }
0x4: {  	_ = 	snop  }
0x5: {  	_ = 	snop  }
0x6: {  	_ = 	snop  }
0x7: {  	_ = 	snop  }
__scs_overlays_trampoline_lowered:
0x8: {  	[smem:$0x3F99] =	sst s0  }
0x9: {  	[smem:$0x3F9A] =	sst s1  }
0xa: {  	[smem:$0x3F9B] =	sst s2  }
0xb: {  	[smem:$0x3F9C] =	sst s3  }
0xc: {  	[smem:$0x3F9D] =	sst s4  }
0xd: {  	[smem:$0x3F9E] =	sst s5  }
0xe: {  	[smem:$0x3F9F] =	sst s6  }
0xf: {  	[smem:$0x3FA0] =	sst s7  }
0x10: {  	[smem:$0x3FA1] =	sst s8  }
0x11: {  	[smem:$0x3FA2] =	sst s9;
	s0 =	simm.s32 @!p0 $0x0  }
0x12: {  	s1 =	sld [smem:$0x3F88];
	s0 =	simm.s32 @p0 $0x1  }
0x13: {  	[smem:$0x3FA3] =	sst s0;
	s0 =	simm.s32 @!p1 $0x0  }
0x14: {  	s2 =	sld [smem:$0x3F87];
	s0 =	simm.s32 @p1 $0x1  }
0x15: {  	[smem:$0x3FA4] =	sst s0;
	s0 =	simm.s32 @!p2 $0x0  }
0x16: {  	s3 =	sld [smem:$0x3FDB];
	s0 =	simm.s32 @p2 $0x1  }
0x17: {  	s4 =	simm.s32 $0x1BF5;
	[smem:$0x3FA6] =	sst s0  }
0x18: {  	s0 =	sld [smem:$0x3F89];
	_ =	swait.ge [sflag:s4], $0x0  }
0x19: {  	s7 =	sld [smem:$0x3F8A]  }
0x1a: {  	s8 =	sadd.s32 $0xFFFFE003, lr  }
0x1b: {  	s9 =	sadd.s32 $0xFFFFFEF7, lr;
	s5 =	simm.s32 $0xFFFFFFFF;
	p2 =	slt.u32 s8, $0xFFFFF086  }
0x1c: {  	p1 =	slt.u32 s9, $0xF7A;
	s5 =	simm.s32 @!p2 $0x0  }
0x1d: {  	s5 =	simm.s32 @p1 $0x1;
	p0 =	seq.s32 s7, s2  }
0x1e: {  	s7 =	smul.u32 @!p0 $0xF7A, s2;
	p2 =	seq.s32 @!p0 s5, $0x0  }
0x1f: {  	s9 =	smul.u32 $0xF7A, s1;
	s8 =	simm.s32 @!p0 $0x1BF5;
	p2 =	por !p2, p0  }
0x20: {  	[sflag:s8] =	ssyncset.s32 @!p0 $0xFFFFF086;
	s6 =	sadd.s32 @!p0 s3, s7;
	s7 =	simm.s32 @!p0 $0x108  }
0x21: {  	s3 =	sadd.s32 s3, s9;
	s6 =	sadd.s32 @!p0 $0x88, s6;
	s7 =	simm.s32 @p2 $0x1082  }
0x22: {  	[simem:s7], [sflag:s8] =	dma.local @!p0 [hbm:s6], $0xF7A  }
0x23: {  	s9 =	sor.u32 $0xD0000000, s2;
	s6 =	simm.s32 $0x108;
	_ =	swait.ge @!p0 [sflag:s8], $0x0  }
0x24: {  	s3 =	sadd.s32 $0x88, s3;
	s6 =	simm.s32 @!p1 $0x1082;
	[sflag:s4] =	ssyncset.s32 $0xFFFFF086  }
0x25: {  	[simem:s6], [sflag:s4] =	dma.local [hbm:s3], $0xF7A  }
0x26: {  	[smem:$0x3F8A] =	sst s1;
	(tag) =	ssettag s2;
	_ =	strace s9  }
0x27: {  	s1 =	sld [smem:$0x3F9A]  }
0x28: {  	s2 =	sld [smem:$0x3F9B]  }
0x29: {  	s4 =	sld [smem:$0x3F9D]  }
0x2a: {  	p0 =	seq.s32 s5, $0x0;
	s5 =	sld [smem:$0x3F9E]  }
0x2b: {  	s6 =	sld [smem:$0x3F9F]  }
0x2c: {  	s7 =	sld [smem:$0x3FA0]  }
0x2d: {  	s3 =	simm.s32 $0x108;
	s8 =	sld [smem:$0x3FA1]  }
0x2e: {  	s3 =	simm.s32 @!p0 $0x1082;
	s9 =	sld [smem:$0x3FA2]  }
0x2f: {  	lr =	sadd.s32 s0, s3;
	s0 =	sld [smem:$0x3F99]  }
0x30: {  	s3 =	sld [smem:$0x3F9C]  }
0x31: {  	[smem:$0x3FA5] =	sst s10  }
0x32: {  	s10 =	sld [smem:$0x3FA3];
	_ =	sdelay $0x3  }
0x33: {  	p0 =	seq.s32 s10, $0x1;
	s10 =	sld [smem:$0x3FA5];
	_ =	sdelay $0x3  }
0x34: {  	[smem:$0x3FA5] =	sst s10  }
0x35: {  	s10 =	sld [smem:$0x3FA4];
	_ =	sdelay $0x3  }
0x36: {  	p1 =	seq.s32 s10, $0x1;
	s10 =	sld [smem:$0x3FA5];
	_ =	sdelay $0x3  }
0x37: {  	[smem:$0x3FA5] =	sst s10  }
0x38: {  	s10 =	sld [smem:$0x3FA6]  }
0x39: {  	_ = 	snop;
	(pc) =	sbr.ind lr, $3  }
0x3a: {  	_ = 	snop  }
0x3b: {  	_ = 	snop  }
0x3c: {  	p2 =	seq.s32 s10, $0x1;
	s10 =	sld [smem:$0x3FA5]  }
0x3d: {  	_ =	shalt  }
0x3e: {  	_ =	shalt  }
0x3f: {  	_ =	shalt  }
0x40: {  	_ =	shalt  }
0x41: {  	_ =	shalt  }
0x42: {  	_ =	shalt  }
0x43: {  	_ =	shalt  }
0x44: {  	_ =	shalt  }
0x45: {  	_ =	shalt  }
0x46: {  	_ =	shalt  }
0x47: {  	_ =	shalt  }
0x48: {  	_ =	shalt  }
0x49: {  	_ =	shalt  }
0x4a: {  	_ =	shalt  }
0x4b: {  	_ =	shalt  }
0x4c: {  	_ =	shalt  }
0x4d: {  	_ =	shalt  }
0x4e: {  	_ =	shalt  }
0x4f: {  	_ =	shalt  }
0x50: {  	_ =	shalt  }
0x51: {  	_ =	shalt  }
0x52: {  	_ =	shalt  }
0x53: {  	_ =	shalt  }
0x54: {  	_ =	shalt  }
0x55: {  	_ =	shalt  }
0x56: {  	_ =	shalt  }
0x57: {  	_ =	shalt  }
0x58: {  	_ =	shalt  }
0x59: {  	_ =	shalt  }
0x5a: {  	_ =	shalt  }
0x5b: {  	_ =	shalt  }
0x5c: {  	_ =	shalt  }
0x5d: {  	_ =	shalt  }
0x5e: {  	_ =	shalt  }
0x5f: {  	_ =	shalt  }
0x60: {  	_ =	shalt  }
0x61: {  	_ =	shalt  }
0x62: {  	_ =	shalt  }
0x63: {  	_ =	shalt  }
0x64: {  	_ =	shalt  }
0x65: {  	_ =	shalt  }
0x66: {  	_ =	shalt  }
0x67: {  	_ =	shalt  }
0x68: {  	_ =	shalt  }
0x69: {  	_ =	shalt  }
0x6a: {  	_ =	shalt  }
0x6b: {  	_ =	shalt  }
0x6c: {  	_ =	shalt  }
0x6d: {  	_ =	shalt  }
0x6e: {  	_ =	shalt  }
0x6f: {  	_ =	shalt  }
0x70: {  	_ =	shalt  }
0x71: {  	_ =	shalt  }
0x72: {  	_ =	shalt  }
0x73: {  	_ =	shalt  }
0x74: {  	_ =	shalt  }
0x75: {  	_ =	shalt  }
0x76: {  	_ =	shalt  }
0x77: {  	_ =	shalt  }
0x78: {  	_ =	shalt  }
0x79: {  	_ =	shalt  }
0x7a: {  	_ =	shalt  }
0x7b: {  	_ =	shalt  }
0x7c: {  	_ =	shalt  }
0x7d: {  	_ =	shalt  }
0x7e: {  	_ =	shalt  }
0x7f: {  	_ =	shalt  }
0x80: {  	_ =	shalt  }
0x81: {  	_ =	shalt  }
0x82: {  	_ =	shalt  }
0x83: {  	_ =	shalt  }
0x84: {  	_ =	shalt  }
0x85: {  	_ =	shalt  }
0x86: {  	_ =	shalt  }
0x87: {  	_ =	shalt  }
.Lfunc_end0:
.L_simem_size_0:
called_computation_lowered:
.L_overlay_start_0:
0x88: {  	s2 =	sld [smem:$0x3FD9]  }
0x89: {  	s3 =	sld [smem:$0x3FFE];
	_ =	sdelay $0x1  }
0x8a: {  	s1 =	srdreg.scid  }
0x8b: {  	s0 =	sand.u32 $0x1, s1  }
0x8c: {  	s16 =	sshll.u32 s0, $0xA;
	s2 =	sadd.s32 s3, s2  }
0x8d: {  	s2 =	sadd.s32 s2, s16  }
0x8e: {  	[smem:$0x3FB1] =	sst s2  }
0x8f: {  	_ = 	snop  }
0x90: {  	(tm) =	ssettm $0x1  }
0x91: {  	s17 =	sld [smem:$0x3FFB];
	_ =	sdelay $0x3  }
0x92: {  	_ =	strace s17  }
0x93: {  	s2 =	sld [smem:$0x3FFC];
	_ =	sdelay $0x3  }
0x94: {  	_ =	strace s2  }
0x95: {  	s2 =	sld [smem:$0x3FFD];
	_ =	sdelay $0x3  }
0x96: {  	_ =	strace s2  }
0x97: {  	_ =	strace $0x8FFFFFFF  }
0x98: {  	s18 =	sld [smem:$0x3FDB];
	_ =	sdelay $0x1  }
0x99: {  	s19 =	simm.s32 $_scs_section_size  }
0x9a: {  	s4 =	simm.s32 $_size__tile_overlayer_lowered;
	s5 =	simm.s32 $_tile_overlayer_lowered  }
0x9b: {  	s22 =	simm.s32 $0x1BFF;
	s21 =	sshll.u32 s5, $0x1;
	s2 =	sadd.s32 s19, s18  }
0x9c: {  	s6 =	simm.s32 $0x0;
	s20 =	sshll.u32 s4, $0x1;
	s4 =	sadd.s32 s21, s2  }
0x9d: {  	[timem:s6], [sflag:s22] =	dma.local [hbm:s4], s20  }
0x9e: {  	_ =	swait.ge [sflag:s22], s20  }
0x9f: {  	s3 =	ssub.s32 $0x0, s20;
	[sflag:s22] =	ssyncset.done $0x0  }
0xa0: {  	[sflag:s22] =	ssyncadd.s32 s3;
	_ =	sdelay $0x1  }
0xa1: {  	s23 =	simm.s32 $0x1B8B  }
0xa2: {  	_ =	swait.ge [sflag:s23], $0x1  }
0xa3: {  	[sflag:s23] =	ssyncset.done $0x0  }
0xa4: {  	s25 =	simm.s32 $0x1B8E;
	s24 =	sld [smem:$0x3FFE];
	[sflag:s23] =	ssyncadd.s32 $0xFFFFFFFF  }
0xa5: {  	s26 =	simm.s32 $execute0_lowered;
	[smem:$0x3FD2] =	sst s25  }
0xa6: {  	s4 =	sshll.u32 s26, $0x1;
	_ =	strace $0x80000046;
	[dreg:$0x1] =	wrdreg $0xFFFFFFFF  }
0xa7: {  	s28 =	simm.s32 $_size_execute0_lowered;
	s2 =	sadd.s32 s2, s4;
	[dreg:$0x0] =	wrdreg $0x0  }
0xa8: {  	s4 =	sshll.u32 s28, $0x1;
	[dreg:$0x2] =	wrdreg s2  }
0xa9: {  	[dreg:$0x3] =	wrdreg s4  }
0xaa: {  	[dreg:$0x4] =	wrdreg $0xC0  }
0xab: {  	_ =	task [dreg:s6], $0x5FFFF  }
0xac: {  	[dreg:$0x1] =	wrdreg $0xFFFFFFFF  }
0xad: {  	[dreg:$0x0] =	wrdreg $0x60  }
0xae: {  	[dreg:$0x2] =	wrdreg s24  }
0xaf: {  	[dreg:$0x3] =	wrdreg $0x9  }
0xb0: {  	_ =	task.clear_ibuf [dreg:s6], $0x4FFFF;
	_ =	strace $0x90000046  }
0xb1: {  	s29 =	simm.s32 $0x9;
	_ =	strace $0x80000048  }
0xb2: {  	_ =	swait.ge [sflag:s29], $0x1  }
0xb3: {  	[sflag:s29] =	ssyncadd.s32 $0xFFFFFFFF  }
0xb4: {  	_ =	strace $0x90000048  }
0xb5: {  	_ =	sfence  }
0xb6: {  	s30 =	sld [smem:$0x0];
	_ =	sdelay $0x2  }
0xb7: {  	s31 =	sshll.u32 s1, $0xD;
	s1 =	sshrl.u32 s1, $0x2  }
0xb8: {  	s3 =	sand.u32 $0x4000, s31;
	s1 =	sadd.s32 s1, s30  }
0xb9: {  	s0 =	sor.u32 s3, s0;
	s1 =	sshll.u32 s1, $0x11  }
0xba: {  	s0 =	sor.u32 s1, s0  }
0xbb: {  	s0 =	sadd.s32 $0x8F2B, s0  }
0xbc: {  	[sflag:s0] =	ssyncadd.remote.s32 $0x1  }
0xbd: {  	_ =	sfence.sel $0xFFFF  }
0xbe: {  	[dreg:$0x0] =	wrdreg $0xFFFFFFFF;
	(pc) =	sbr.abs _section_cstart, $3  }
0xbf: {  	[dreg:$0x1] =	wrdreg $0xFFFFFFFF  }
0xc0: {  	_ =	task.clear_ibuf [dreg:s6], $0x2FFFF;
	_ =	strace $0x9FFFFFFF  }
0xc1: {  	(tm) =	ssettm $0x7FFFFFFF  }
tec
execute0_lowered:
.L_overlay_start_1:
0x0: {  	(tag) =	ssettag $0x1  }
0x1: {  	s0 =	rddreg [dreg:$0x0]  }
0x2: {  	s2 =	simm.s32 $0x0;
	s1 =	srdreg.scid;
	s3 =	stileid.u32  }
0x3: {  	s14 =	simm.s32 $0x5;
	s17 =	simm.s32 $0x3C00;
	s18 =	simm.s32 $0x80  }
0x4: {  	s19 =	simm.s32 $0xBC00;
	s20 =	simm.s32 $0x13C00;
	s21 =	simm.s32 $0x7C00  }
0x5: {  	s22 =	simm.s32 $0xFC00;
	s23 =	simm.s32 $0x17C00;
	s24 =	simm.s32 $0x1  }
0x6: {  	s25 =	simm.s32 $0x2;
	s26 =	simm.s32 $0x3;
	s28 =	simm.s32 $0x4  }
0x7: {  	s29 =	simm.s32 $0x0;
	[smem:$0x7FF] =	sst s2;
	s1 =	sand.u32 $0x1, s1  }
0x8: {  	s3 =	sshll.u32 s3, $0x1;
	s4 =	sadd.s32 $0x299400, s0;
	s5 =	sadd.s32 $0x2C1400, s0  }
0x9: {  	s6 =	sadd.s32 $0x2E9400, s0;
	s12 =	sor.u32 s1, s3;
	s1 =	ssub.s32 $0x2, s1  }
0xa: {  	s7 =	sadd.s32 $0x589400, s0;
	s8 =	smul.u32 $0x280, s12;
	s9 =	sshrl.u32 s1, $0x1  }
0xb: {  	_ =	strace $0x80000047;
	s31 =	ssub.s32 s1, s9;
	s9 =	smul.u32 $0x1400, s12  }
0xc: {  	s3 =	sadd.s32 $0x14400, s0;
	s12 =	smul.u32 $0xA0000, s12;
	s8 =	sadd.s32 s0, s8  }
0xd: {  	s13 =	smax.u32 s31, $0x1;
	s10 =	sadd.s32 $0xF400, s8;
	s11 =	sadd.s32 $0x294400, s8  }
.LBB2_1:
0xe: {  	[tilespmem:s2], [sflag:$0x5] =	stream.linear.gather [hbm4b:s10+s2], $0x1400, $0x38;
	[tilespmem:$0x1BC00] =	vst v63  }
0xf: {  	_ =	swait.ge [sflag:s14], $0x1400  }
0x10: {  	[sflag:s14] =	ssyncset.done $0x0  }
0x11: {  	s0 =	simm.s32 $0x1400;
	[sflag:s14] =	ssyncadd.s32 $0xFFFFEC00  }
0x12: {  	[tilespmem:s0], [sflag:$0x5] =	stream.linear.gather [hbm4b:s11+s2], $0x1400, $0x38;
	[tilespmem:$0x1BC00] =	vst v63  }
0x13: {  	_ =	swait.ge [sflag:s14], $0x1400  }
0x14: {  	[sflag:s14] =	ssyncset.done $0x0  }
0x15: {  	s31 =	simm.s32 $0x2800;
	[sflag:s14] =	ssyncadd.s32 $0xFFFFEC00  }
0x16: {  	[tilespmem:s31], [sflag:$0x5] =	stream.linear.gather [hbm4b:s8+s2], $0x1400, $0x38;
	[tilespmem:$0x1BC00] =	vst v63  }
0x17: {  	_ =	swait.ge [sflag:s14], $0x1400  }
0x18: {  	[sflag:s14] =	ssyncset.done $0x0  }
0x19: {  	s30 =	simm.s32 $0x0;
	[sflag:s14] =	ssyncadd.s32 $0xFFFFEC00  }
.LBB2_2:
0x1a: {  	p0 =	seq.s32 s30, $0x0  }
0x1b: {  	s0 =	simm.s32 @!p0 $0x3  }
0x1c: {  	_ =	swait.ge @!p0 [sflag:s0], $0x4000  }
0x1d: {  	[sflag:s0] =	ssyncset.done @!p0 $0x0  }
0x1e: {  	s1 =	sshll.u32 s30, $0xF;
	[sflag:s0] =	ssyncadd.s32 @!p0 $0xFFFFC000  }
0x1f: {  	s1 =	sadd.s32 s12, s1;
	_ =	swait.ge @!p0 [sflag:s0], $0x4000  }
0x20: {  	s1 =	sshrl.u32 s1, $0x3;
	[sflag:s0] =	ssyncset.done @!p0 $0x0  }
0x21: {  	s1 =	sadd.s32 s3, s1;
	[sflag:s0] =	ssyncadd.s32 @!p0 $0xFFFFC000;
	s0 =	sshll.u32 s30, $0x8  }
0x22: {  	[tilespmem:s17], [sflag:$0x1] =	stream.linear.gather [hbm4b:s1+s2], $0x4000, $0x38;
	[tilespmem:$0x1BC00] =	vst v63  }
0x23: {  	s15 =	sadd.s32 $0x1400, s0  }
0x24: {  	[tilespmem:s19], [sflag:$0x1] =	stream.indirect.gather [hbm4b:s4+s18], $0x80, s15, s18, $0xb8;
	[tilespmem:$0x1BC00] =	vst v63  }
0x25: {  	s16 =	sadd.s32 $0x2800, s0;
	s1 =	simm.s32 @!p0 $0x4  }
0x26: {  	[tilespmem:s20], [sflag:$0x1] =	stream.indirect.gather [hbm4b:s5+s18], $0x80, s16, s18, $0xb8;
	[tilespmem:$0x1BC00] =	vst v63  }
0x27: {  	_ =	swait.ge @!p0 [sflag:s1], $0x4000  }
0x28: {  	[sflag:s1] =	ssyncset.done @!p0 $0x0  }
0x29: {  	s31 =	sor.u32 $0x80, s0;
	[sflag:s1] =	ssyncadd.s32 @!p0 $0xFFFFC000  }
0x2a: {  	s15 =	sadd.s32 s9, s31;
	_ =	swait.ge @!p0 [sflag:s1], $0x4000  }
0x2b: {  	s15 =	sshll.u32 s15, $0x4;
	[sflag:s1] =	ssyncset.done @!p0 $0x0  }
0x2c: {  	s15 =	sadd.s32 s3, s15;
	s16 =	simm.s32 $0x0;
	[sflag:s1] =	ssyncadd.s32 @!p0 $0xFFFFC000  }
0x2d: {  	[tilespmem:s21], [sflag:$0x2] =	stream.linear.gather [hbm4b:s15+s16], $0x4000, $0x38;
	[tilespmem:$0x1BC00] =	vst v63  }
0x2e: {  	s15 =	sadd.s32 $0x1480, s0  }
0x2f: {  	[tilespmem:s22], [sflag:$0x2] =	stream.indirect.gather [hbm4b:s4+s18], $0x80, s15, s18, $0xb8;
	[tilespmem:$0x1BC00] =	vst v63  }
0x30: {  	s16 =	sadd.s32 $0x2880, s0  }
0x31: {  	[tilespmem:s23], [sflag:$0x2] =	stream.indirect.gather [hbm4b:s5+s18], $0x80, s16, s18, $0xb8;
	[tilespmem:$0x1BC00] =	vst v63  }
0x32: {  	_ =	swait.ge [sflag:s24], $0x4000  }
0x33: {  	[sflag:s24] =	ssyncset.done $0x0  }
0x34: {  	[sflag:s24] =	ssyncadd.s32 $0xFFFFC000  }
0x35: {  	_ =	swait.ge [sflag:s24], $0x4000  }
0x36: {  	[sflag:s24] =	ssyncset.done $0x0  }
0x37: {  	[sflag:s24] =	ssyncadd.s32 $0xFFFFC000  }
0x38: {  	_ =	swait.ge [sflag:s24], $0x4000  }
0x39: {  	[sflag:s24] =	ssyncset.done $0x0  }
0x3a: {  	s1 =	simm.s32 $0x0;
	[sflag:s24] =	ssyncadd.s32 $0xFFFFC000  }
0x3b: {  	v7 =	vld [tilespmem:s1+$0x13C00]  }
0x3c: {  	v11 =	vld [tilespmem:s1+$0x13C10]  }
0x3d: {  	v5 =	vld [tilespmem:s1+$0x13C20]  }
0x3e: {  	v4 =	vld [tilespmem:s1+$0x13C30]  }
0x3f: {  	v3 =	vld [tilespmem:s1+$0x13C40]  }
0x40: {  	v2 =	vld [tilespmem:s1+$0x13C50]  }
0x41: {  	v1 =	vld [tilespmem:s1+$0x13C60]  }
0x42: {  	v0 =	vld [tilespmem:s1+$0x13C70]  }
0x43: {  	v12 =	vld [tilespmem:s1+$0xBC00]  }
0x44: {  	v13 =	vld [tilespmem:s1+$0xBC10]  }
0x45: {  	v10 =	vld [tilespmem:s1+$0xBC20]  }
0x46: {  	v9 =	vld [tilespmem:s1+$0xBC30]  }
0x47: {  	v8 =	vld [tilespmem:s1+$0xBC40]  }
0x48: {  	v6 =	vld [tilespmem:s1+$0xBC50];
	v12 =	vadd.f32 v7, v12  }
0x49: {  	s15 =	simm.s32 $0x200;
	v11 =	vadd.f32 v11, v13;
	v7 =	vld [tilespmem:s1+$0xBC60]  }
.LBB2_3:
0x4a: {  	s16 =	sshra.s32 s15, $0x2;
	p0 =	sne.s32 s15, $0xFE00;
	[tilespmem:s1+$0xBC00] =	vst v12;
	v5 =	vadd.f32 v5, v10;
	v10 =	vld [tilespmem:s1+$0xBC70]  }
0x4b: {  	v12 =	vld [tilespmem:s16+$0x13C00];
	[tilespmem:s1+$0xBC10] =	vst v11;
	v4 =	vadd.f32 v4, v9  }
0x4c: {  	v11 =	vld [tilespmem:s16+$0x13C10];
	[tilespmem:s1+$0xBC20] =	vst v5;
	v3 =	vadd.f32 v3, v8  }
0x4d: {  	v5 =	vld [tilespmem:s16+$0x13C20];
	[tilespmem:s1+$0xBC30] =	vst v4;
	v2 =	vadd.f32 v2, v6  }
0x4e: {  	v4 =	vld [tilespmem:s16+$0x13C30];
	[tilespmem:s1+$0xBC40] =	vst v3;
	v1 =	vadd.f32 v1, v7  }
0x4f: {  	v3 =	vld [tilespmem:s16+$0x13C40];
	[tilespmem:s1+$0xBC50] =	vst v2;
	v0 =	vadd.f32 v0, v10  }
0x50: {  	v2 =	vld [tilespmem:s16+$0x13C50];
	[tilespmem:s1+$0xBC60] =	vst v1  }
0x51: {  	v1 =	vld [tilespmem:s16+$0x13C60];
	[tilespmem:s1+$0xBC70] =	vst v0;
	s1 =	smov.u32 s16  }
0x52: {  	v0 =	vld [tilespmem:s1+$0x13C70]  }
0x53: {  	v6 =	vld [tilespmem:s1+$0xBC00]  }
0x54: {  	v7 =	vld [tilespmem:s1+$0xBC10]  }
.Ltmp0:
0x55: {  	v10 =	vld [tilespmem:s1+$0xBC20];
	(pc) =	sbr.rel @p0 .LBB2_3-.Ltmp0, $4  }
0x56: {  	v9 =	vld [tilespmem:s1+$0xBC30]  }
0x57: {  	v8 =	vld [tilespmem:s1+$0xBC40]  }
0x58: {  	v12 =	vadd.f32 v12, v6;
	v6 =	vld [tilespmem:s1+$0xBC50]  }
0x59: {  	s15 =	sadd.s32 $0x200, s15;
	v11 =	vadd.f32 v11, v7;
	v7 =	vld [tilespmem:s1+$0xBC60]  }
0x5a: {  	[tilespmem:s1+$0xBC00] =	vst v12;
	v5 =	vadd.f32 v5, v10;
	v10 =	vld [tilespmem:s1+$0xBC70]  }
0x5b: {  	[tilespmem:s1+$0xBC10] =	vst v11;
	v4 =	vadd.f32 v4, v9  }
0x5c: {  	[tilespmem:s1+$0xBC20] =	vst v5;
	v3 =	vadd.f32 v3, v8  }
0x5d: {  	[tilespmem:s1+$0xBC30] =	vst v4;
	v2 =	vadd.f32 v2, v6  }
0x5e: {  	[tilespmem:s1+$0xBC40] =	vst v3;
	v1 =	vadd.f32 v1, v7  }
0x5f: {  	[tilespmem:s1+$0xBC50] =	vst v2;
	v0 =	vadd.f32 v0, v10  }
0x60: {  	[tilespmem:s1+$0xBC60] =	vst v1  }
0x61: {  	[tilespmem:s1+$0xBC70] =	vst v0  }
0x62: {  	[hbm4b:s6+s18] =	stream.indirect.scatter [tilespmem:s17], [sflag:$0x3], $0x80, s0, s18, $0xb8;
	[tilespmem:$0x1BC00] =	vst v63  }
0x63: {  	_ = 	snop  }
0x64: {  	[hbm4b:s7+s18] =	stream.indirect.scatter [tilespmem:s19], [sflag:$0x3], $0x80, s0, s18, $0xb8;
	[tilespmem:$0x1BC00] =	vst v63  }
0x65: {  	_ =	swait.ge [sflag:s25], $0x4000  }
0x66: {  	[sflag:s25] =	ssyncset.done $0x0  }
0x67: {  	[sflag:s25] =	ssyncadd.s32 $0xFFFFC000  }
0x68: {  	_ =	swait.ge [sflag:s25], $0x4000  }
0x69: {  	[sflag:s25] =	ssyncset.done $0x0  }
0x6a: {  	[sflag:s25] =	ssyncadd.s32 $0xFFFFC000  }
0x6b: {  	_ =	swait.ge [sflag:s25], $0x4000  }
0x6c: {  	[sflag:s25] =	ssyncset.done $0x0  }
0x6d: {  	s0 =	simm.s32 $0x0;
	[sflag:s25] =	ssyncadd.s32 $0xFFFFC000  }
0x6e: {  	v7 =	vld [tilespmem:s0+$0x17C00]  }
0x6f: {  	v11 =	vld [tilespmem:s0+$0x17C10]  }
0x70: {  	v5 =	vld [tilespmem:s0+$0x17C20]  }
0x71: {  	v4 =	vld [tilespmem:s0+$0x17C30]  }
0x72: {  	v3 =	vld [tilespmem:s0+$0x17C40]  }
0x73: {  	v2 =	vld [tilespmem:s0+$0x17C50]  }
0x74: {  	v1 =	vld [tilespmem:s0+$0x17C60]  }
0x75: {  	v0 =	vld [tilespmem:s0+$0x17C70]  }
0x76: {  	v12 =	vld [tilespmem:s0+$0xFC00]  }
0x77: {  	v13 =	vld [tilespmem:s0+$0xFC10]  }
0x78: {  	v10 =	vld [tilespmem:s0+$0xFC20]  }
0x79: {  	v9 =	vld [tilespmem:s0+$0xFC30]  }
0x7a: {  	v8 =	vld [tilespmem:s0+$0xFC40]  }
0x7b: {  	v6 =	vld [tilespmem:s0+$0xFC50];
	v12 =	vadd.f32 v7, v12  }
0x7c: {  	s1 =	simm.s32 $0x200;
	v11 =	vadd.f32 v11, v13;
	v7 =	vld [tilespmem:s0+$0xFC60]  }
.LBB2_5:
0x7d: {  	s15 =	sshra.s32 s1, $0x2;
	p0 =	sne.s32 s1, $0xFE00;
	[tilespmem:s0+$0xFC00] =	vst v12;
	v5 =	vadd.f32 v5, v10;
	v10 =	vld [tilespmem:s0+$0xFC70]  }
0x7e: {  	v12 =	vld [tilespmem:s15+$0x17C00];
	[tilespmem:s0+$0xFC10] =	vst v11;
	v4 =	vadd.f32 v4, v9  }
0x7f: {  	v11 =	vld [tilespmem:s15+$0x17C10];
	[tilespmem:s0+$0xFC20] =	vst v5;
	v3 =	vadd.f32 v3, v8  }
0x80: {  	v5 =	vld [tilespmem:s15+$0x17C20];
	[tilespmem:s0+$0xFC30] =	vst v4;
	v2 =	vadd.f32 v2, v6  }
0x81: {  	v4 =	vld [tilespmem:s15+$0x17C30];
	[tilespmem:s0+$0xFC40] =	vst v3;
	v1 =	vadd.f32 v1, v7  }
0x82: {  	v3 =	vld [tilespmem:s15+$0x17C40];
	[tilespmem:s0+$0xFC50] =	vst v2;
	v0 =	vadd.f32 v0, v10  }
0x83: {  	v2 =	vld [tilespmem:s15+$0x17C50];
	[tilespmem:s0+$0xFC60] =	vst v1  }
0x84: {  	v1 =	vld [tilespmem:s15+$0x17C60];
	[tilespmem:s0+$0xFC70] =	vst v0;
	s0 =	smov.u32 s15  }
0x85: {  	v0 =	vld [tilespmem:s0+$0x17C70]  }
0x86: {  	v6 =	vld [tilespmem:s0+$0xFC00]  }
0x87: {  	v7 =	vld [tilespmem:s0+$0xFC10]  }
.Ltmp1:
0x88: {  	v10 =	vld [tilespmem:s0+$0xFC20];
	(pc) =	sbr.rel @p0 .LBB2_5-.Ltmp1, $4  }
0x89: {  	v9 =	vld [tilespmem:s0+$0xFC30]  }
0x8a: {  	v8 =	vld [tilespmem:s0+$0xFC40]  }
0x8b: {  	v12 =	vadd.f32 v12, v6;
	v6 =	vld [tilespmem:s0+$0xFC50]  }
0x8c: {  	s1 =	sadd.s32 $0x200, s1;
	v11 =	vadd.f32 v11, v7;
	v7 =	vld [tilespmem:s0+$0xFC60]  }
0x8d: {  	[tilespmem:s0+$0xFC00] =	vst v12;
	v5 =	vadd.f32 v5, v10;
	v63 =	vld [tilespmem:s0+$0xFC70]  }
0x8e: {  	[tilespmem:s0+$0xFC10] =	vst v11;
	v4 =	vadd.f32 v4, v9  }
0x8f: {  	[tilespmem:s0+$0xFC20] =	vst v5;
	v3 =	vadd.f32 v3, v8  }
0x90: {  	[tilespmem:s0+$0xFC30] =	vst v4;
	v2 =	vadd.f32 v2, v6  }
0x91: {  	s30 =	sadd.s32 $0x1, s30;
	[tilespmem:s0+$0xFC40] =	vst v3;
	v1 =	vadd.f32 v1, v7  }
0x92: {  	p0 =	sne.s32 s30, $0x14;
	[tilespmem:s0+$0xFC50] =	vst v2;
	v0 =	vadd.f32 v0, v63  }
.Ltmp2:
0x93: {  	[tilespmem:s0+$0xFC60] =	vst v1;
	(pc) =	sbr.rel @p0 .LBB2_2-.Ltmp2, $4  }
0x94: {  	[tilespmem:s0+$0xFC70] =	vst v0  }
0x95: {  	[hbm4b:s6+s18] =	stream.indirect.scatter [tilespmem:s21], [sflag:$0x4], $0x80, s31, s18, $0xb8;
	[tilespmem:$0x1BC00] =	vst v63  }
0x96: {  	_ = 	snop  }
0x97: {  	[hbm4b:s7+s18] =	stream.indirect.scatter [tilespmem:s22], [sflag:$0x4], $0x80, s31, s18, $0xb8;
	[tilespmem:$0x1BC00] =	vst v63  }
0x98: {  	_ =	swait.ge [sflag:s26], $0x4000  }
0x99: {  	[sflag:s26] =	ssyncset.done $0x0  }
0x9a: {  	[sflag:s26] =	ssyncadd.s32 $0xFFFFC000  }
0x9b: {  	_ =	swait.ge [sflag:s26], $0x4000  }
0x9c: {  	[sflag:s26] =	ssyncset.done $0x0  }
0x9d: {  	s29 =	sadd.s32 $0x1, s29;
	[sflag:s26] =	ssyncadd.s32 $0xFFFFC000  }
0x9e: {  	p0 =	sne.s32 s29, s13;
	_ =	swait.ge [sflag:s28], $0x4000  }
.Ltmp3:
0x9f: {  	[sflag:s28] =	ssyncset.done $0x0;
	(pc) =	sbr.rel @p0 .LBB2_1-.Ltmp3, $4  }
0xa0: {  	[sflag:s28] =	ssyncadd.s32 $0xFFFFC000  }
0xa1: {  	_ =	swait.ge [sflag:s28], $0x4000  }
0xa2: {  	[sflag:s28] =	ssyncset.done $0x0  }
0xa3: {  	[sflag:s28] =	ssyncadd.s32 $0xFFFFC000  }
0xa4: {  	_ =	sfence.sel $0x180000  }
0xa5: {  	[bflag:$0x0] =	sbarrier.arrive $0xFFFF  }
0xa6: {  	_ =	strace $0x90000047  }
0xa7: {  	s0 =	stileid.u32;
	[bflag:$0x2] =	sbarrier.arrive $0xFFFF  }
0xa8: {  	p0 =	sne.s32 s0, $0x0;
	s0 =	rddreg [dreg:$0x1]  }
0xa9: {  	s0 =	sadd.s32 @!p0 $0x100000, s0  }
0xaa: {  	[sflag:s0] =	ssyncadd.tile.s32 @!p0 $0x1;
	_ =	shalt  }
.Lfunc_end2:
_tile_overlayer_lowered:
.L_overlay_start_2:
0xab: {  	(tag) =	ssettag $0x2  }
0xac: {  	s0 =	rddreg [dreg:$0x0];
	s2 =	stileid.u32  }
0xad: {  	s1 =	rddreg [dreg:$0x1];
	p0 =	sne.s32 s2, $0x0  }
0xae: {  	s3 =	rddreg [dreg:$0x2];
	[bflag:$0x3] =	sbarrier.arrive $0xFFFF;
	s2 =	simm.s32 @!p0 $0x1C05  }
0xaf: {  	[timem:s3], [sflag:s2] =	dma.local @!p0 [hbm:s0], s1  }
0xb0: {  	s0 =	simm.s32 @!p0 $0x5  }
0xb1: {  	_ =	swait.ge @!p0 [sflag:s0], s1  }
0xb2: {  	s1 =	ssub.s32 @!p0 $0x0, s1;
	[sflag:s0] =	ssyncset.done @!p0 $0x0  }
0xb3: {  	[sflag:s0] =	ssyncadd.s32 @!p0 s1  }
0xb4: {  	[bflag:$0x3] =	sbarrier.arrive $0xFFFF  }
0xb5: {  	_ =	shalt  }

</sc_bundles>
